<compile_context>
chip_gen: v7x
topology: tpu7x:2x2x1
jax: 0.10.2.dev20260603
libtpu: 0.0.44.dev20260713+nightly
codegen_flags: <defaults>
</compile_context>

<pallas_src>
import functools

import jax
import jax.numpy as jnp
from jax import lax
from jax.experimental import pallas as pl
from jax.experimental.pallas import tpu as pltpu
from jax.experimental.pallas import tpu_sc as plsc

N_NODES = 10000
N_PAD = 10240
N_EDGES = 160000
D_FEAT = 128
D_EDGE = 16
H = 16
N_PRED = 100000
B_PRED = 204800

_NC = 2
_NS = 16
_NW = _NC * _NS

_SC_PARAMS = pltpu.CompilerParams(use_tc_tiling_on_sc=False)
_MESH = dict(core_axis_name="c", subcore_axis_name="s")



def _sc_gather(table, idx):
    B = idx.shape[0]
    b_per_w = B // _NW

    @functools.partial(
        pl.kernel, mesh=plsc.VectorSubcoreMesh(**_MESH),
        compiler_params=_SC_PARAMS,
        out_type=jax.ShapeDtypeStruct((B, H), jnp.float32),
        scratch_types=[
            pltpu.VMEM((b_per_w,), jnp.int32),
            pltpu.VMEM((b_per_w, H), jnp.float32),
            pltpu.SemaphoreType.DMA,
        ],
    )
    def k(table_hbm, idx_hbm, out_hbm, idx_v, rows_v, sem):
        wid = lax.axis_index("s") * _NC + lax.axis_index("c")
        base = wid * b_per_w
        pltpu.sync_copy(idx_hbm.at[pl.ds(base, b_per_w)], idx_v)
        pltpu.async_copy(table_hbm.at[idx_v], rows_v, sem).wait()
        pltpu.sync_copy(rows_v, out_hbm.at[pl.ds(base, b_per_w)])

    return k(table, idx)


def _sc_scatter_add(rows, idx, zeros, shared_rows=False):
    E = N_EDGES
    b_per_w = E // _NW
    npt = N_NODES // _NS

    @functools.partial(
        pl.kernel, mesh=plsc.VectorSubcoreMesh(**_MESH),
        compiler_params=_SC_PARAMS,
        out_type=jax.ShapeDtypeStruct((2 * N_NODES, H), jnp.float32),
        scratch_types=[
            pltpu.VMEM((b_per_w,), jnp.int32),
            pltpu.VMEM((b_per_w, H), jnp.float32),
            pltpu.VMEM_SHARED((N_NODES, H), jnp.float32),
        ],
    )
    def k(rows_hbm, idx_hbm, zeros_hbm, out_hbm, idx_v, rows_v, acc):
        cid = lax.axis_index("c")
        sid = lax.axis_index("s")
        wid = sid * _NC + cid
        base = wid * b_per_w
        pltpu.sync_copy(idx_hbm.at[pl.ds(base, b_per_w)], idx_v)
        if shared_rows:
            pltpu.sync_copy(rows_hbm, rows_v)
        else:
            pltpu.sync_copy(rows_hbm.at[pl.ds(base, b_per_w)], rows_v)
        pltpu.sync_copy(zeros_hbm.at[pl.ds(sid * npt, npt)],
                        acc.at[pl.ds(sid * npt, npt)])
        plsc.subcore_barrier()
        pltpu.sync_copy(rows_v, acc.at[idx_v], add=True)
        plsc.subcore_barrier()
        pltpu.sync_copy(acc.at[pl.ds(sid * npt, npt)],
                        out_hbm.at[pl.ds(cid * N_NODES + sid * npt, npt)])

    return k(rows, idx, zeros)



def _tc_node_proj(x, W, b):
    def body(x_ref, w_ref, b_ref, o_ref):
        o_ref[...] = jnp.dot(x_ref[...], w_ref[...],
                             preferred_element_type=jnp.float32) + b_ref[...]
    return pl.pallas_call(
        body, out_shape=jax.ShapeDtypeStruct((N_NODES, H), jnp.float32),
    )(x, W, b)


def _tc_messages(efp, gp, W8, b8, P8, Q8):
    Ep = efp.shape[0]
    Eb = 400
    grid = Ep // Eb

    hi = lax.Precision.HIGHEST

    def body(ef_ref, g_ref, w_ref, b_ref, p_ref, q_ref, o_ref):
        we = jnp.maximum(
            jnp.dot(ef_ref[...], w_ref[...],
                    preferred_element_type=jnp.float32) + b_ref[...], 0.0)
        ge = jnp.dot(g_ref[...], p_ref[...], precision=hi,
                     preferred_element_type=jnp.float32)
        ger = ge.astype(jnp.bfloat16).astype(jnp.float32)
        wer = we.astype(jnp.bfloat16).astype(jnp.float32)
        o_ref[...] = jnp.dot(ger * wer, q_ref[...], precision=hi,
                             preferred_element_type=jnp.float32)

    return pl.pallas_call(
        body, grid=(grid,),
        in_specs=[
            pl.BlockSpec((Eb, 128), lambda i: (i, 0)),
            pl.BlockSpec((Eb, 128), lambda i: (i, 0)),
            pl.BlockSpec((128, 8 * H * H), lambda i: (0, 0)),
            pl.BlockSpec((1, 8 * H * H), lambda i: (0, 0)),
            pl.BlockSpec((128, 8 * H * H), lambda i: (0, 0)),
            pl.BlockSpec((8 * H * H, 128), lambda i: (0, 0)),
        ],
        out_specs=pl.BlockSpec((Eb, 128), lambda i: (i, 0)),
        out_shape=jax.ShapeDtypeStruct((Ep, 128), jnp.float32),
    )(efp, gp, W8, b8, P8, Q8)


def _tc_combine(p0, p1, c0, c1, b):
    def body(p0r, p1r, c0r, c1r, br, o_ref):
        s = p0r[...] + p1r[...]
        cnt = jnp.maximum(c0r[...] + c1r[...], 1.0)
        o_ref[...] = jnp.maximum(s / cnt + br[...], 0.0)
    return pl.pallas_call(
        body, out_shape=jax.ShapeDtypeStruct((N_NODES // 8, 128), jnp.float32),
    )(p0, p1, c0, c1, b)


def _tc_predict(gpk, Wa8, Wb8, b18, W28, b28):
    Rp = gpk.shape[0] // 2
    Eb = 800
    grid = Rp // Eb
    off = Rp // Eb

    def body(s_ref, d_ref, wa, wb, b1r, w2, b2r, o_ref):
        z = jnp.maximum(
            jnp.dot(s_ref[...], wa[...], preferred_element_type=jnp.float32)
            + jnp.dot(d_ref[...], wb[...], preferred_element_type=jnp.float32)
            + b1r[...], 0.0)
        o_ref[...] = jnp.dot(z, w2[...],
                             preferred_element_type=jnp.float32) + b2r[...]

    return pl.pallas_call(
        body, grid=(grid,),
        in_specs=[
            pl.BlockSpec((Eb, 128), lambda i: (i, 0)),
            pl.BlockSpec((Eb, 128), lambda i, off=off: (i + off, 0)),
            pl.BlockSpec((128, 128), lambda i: (0, 0)),
            pl.BlockSpec((128, 128), lambda i: (0, 0)),
            pl.BlockSpec((1, 128), lambda i: (0, 0)),
            pl.BlockSpec((128, 8), lambda i: (0, 0)),
            pl.BlockSpec((1, 8), lambda i: (0, 0)),
        ],
        out_specs=pl.BlockSpec((Eb, 8), lambda i: (i, 0)),
        out_shape=jax.ShapeDtypeStruct((Rp, 8), jnp.float32),
    )(gpk, gpk, Wa8, Wb8, b18, W28, b28)



def _blockdiag8(W):
    r, c = W.shape
    big = jnp.tile(W, (8, 8))
    mask = jnp.kron(jnp.eye(8, dtype=W.dtype), jnp.ones((r, c), W.dtype))
    return big * mask


def kernel(x, edge_index, edge_feat, edge_list, W_np, b_np, W_en, b_en,
           b1, b2, W_p1, b_p1, W_p2, b_p2):
    f32 = jnp.float32
    src = edge_index[0]
    dst = edge_index[1]

    ii = jnp.arange(H * H)
    P = (jnp.arange(H)[:, None] == (ii[None, :] // H)).astype(f32)
    Q = ((ii[:, None] % H) == jnp.arange(H)[None, :]).astype(f32)
    P8 = _blockdiag8(P)
    Q8 = _blockdiag8(Q)
    W8 = _blockdiag8(W_en)
    b8 = jnp.tile(b_en, 8).reshape(1, 8 * H * H)
    zeros = jnp.zeros((N_NODES, H), f32)
    ones = jnp.ones((N_EDGES // _NW, H), f32)
    efp = edge_feat.reshape(N_EDGES // 8, 128)
    pk = (N_NODES // 8, 128)

    h0 = _tc_node_proj(x, W_np, b_np.reshape(1, H))
    cntp = _sc_scatter_add(ones, dst, zeros, shared_rows=True)
    cnt0 = cntp[:N_NODES].reshape(pk)
    cnt1 = cntp[N_NODES:].reshape(pk)

    def conv(h_table, bias):
        g = _sc_gather(h_table, src)
        m = _tc_messages(efp, g.reshape(N_EDGES // 8, 128), W8, b8, P8, Q8)
        s = _sc_scatter_add(m.reshape(N_EDGES, H), dst, zeros)
        hp = _tc_combine(s[:N_NODES].reshape(pk), s[N_NODES:].reshape(pk),
                         cnt0, cnt1, jnp.tile(bias, 8).reshape(1, 128))
        return hp.reshape(N_NODES, H)

    h1 = conv(h0, b1)
    h2 = conv(h1, b2)

    npad = B_PRED // 2 - N_PRED
    pad = jnp.zeros((npad,), jnp.int32)
    idx_pred = jnp.concatenate([edge_list[:, 0], pad, edge_list[:, 1], pad])
    gpk = _sc_gather(h2, idx_pred).reshape(B_PRED // 8, 128)
    logits8 = _tc_predict(gpk,
                          _blockdiag8(W_p1[:H]), _blockdiag8(W_p1[H:]),
                          jnp.tile(b_p1, 8).reshape(1, 128),
                          _blockdiag8(W_p2), jnp.tile(b_p2, 8).reshape(1, 8))
    return logits8.reshape(B_PRED // 2, 1)[:N_PRED]

# --- scband reference (transcript-rebuilt; emitter-appended) ---
"""Pipeline reference for scband-gnnmodel-16097537426060 (READ-ONLY COPY).

The authoritative reference and input builder live on the scoring server;
editing this copy changes nothing except your own understanding.
"""

import jax, jax.numpy as jnp
import numpy as np

N_NODES = 10000
N_EDGES = 160000
D_FEAT = 128
D_EDGE = 16
HIDDEN = 16
OUT_FEATS = 1
N_PRED = 100000


def setup_inputs(seed: int = 0) -> dict:
    key = jax.random.key(seed)
    ks = jax.random.split(key, 14)
    inp = {}
    inp['x'] = jax.random.normal(ks[0], (N_NODES, D_FEAT), dtype=jnp.float32)
    inp['edge_index'] = jax.random.randint(ks[1], (2, N_EDGES), 0, N_NODES, dtype=jnp.int32)
    inp['edge_feat'] = jax.random.normal(ks[2], (N_EDGES, D_EDGE), dtype=jnp.float32)
    inp['edge_list'] = jax.random.randint(ks[3], (N_PRED, 2), 0, N_NODES, dtype=jnp.int32)
    # learned parameters
    inp['W_np'] = jax.random.normal(ks[4], (D_FEAT, HIDDEN), dtype=jnp.float32) * (1.0 / np.sqrt(D_FEAT))
    inp['b_np'] = jnp.zeros((HIDDEN,), dtype=jnp.float32)
    # shared edge_nn (same module used by conv1 and conv2)
    inp['W_en'] = jax.random.normal(ks[5], (D_EDGE, HIDDEN * HIDDEN), dtype=jnp.float32) * (1.0 / np.sqrt(D_EDGE))
    inp['b_en'] = jnp.zeros((HIDDEN * HIDDEN,), dtype=jnp.float32)
    # NNConv biases (bias=True default in DGL NNConv)
    inp['b1'] = jnp.zeros((HIDDEN,), dtype=jnp.float32)
    inp['b2'] = jnp.zeros((HIDDEN,), dtype=jnp.float32)
    # edge predictor MLP
    inp['W_p1'] = jax.random.normal(ks[6], (2 * HIDDEN, HIDDEN), dtype=jnp.float32) * (1.0 / np.sqrt(2 * HIDDEN))
    inp['b_p1'] = jnp.zeros((HIDDEN,), dtype=jnp.float32)
    inp['W_p2'] = jax.random.normal(ks[7], (HIDDEN, OUT_FEATS), dtype=jnp.float32) * (1.0 / np.sqrt(HIDDEN))
    inp['b_p2'] = jnp.zeros((OUT_FEATS,), dtype=jnp.float32)
    return inp


def _nnconv_mean(h, src, dst, we, bias, n_nodes):
    # NNConv: message m_e = h[src_e] @ W_e  (W_e: [H, H] per edge), mean-aggregated at dst
    m = jnp.einsum('ei,eio->eo', h[src], we)
    s = jax.ops.segment_sum(m, dst, num_segments=n_nodes)
    cnt = jax.ops.segment_sum(jnp.ones((src.shape[0],), dtype=h.dtype), dst, num_segments=n_nodes)
    agg = s / jnp.maximum(cnt, 1.0)[:, None]
    return agg + bias


def reference(x, edge_index, edge_feat, edge_list, W_np, b_np, W_en, b_en, b1, b2, W_p1, b_p1, W_p2, b_p2):
    src = edge_index[0]
    dst = edge_index[1]
    # node projection
    h = x @ W_np + b_np
    # shared edge_nn: Linear(edge_feats -> H*H) + ReLU, reshaped per edge
    we = jax.nn.relu(edge_feat @ W_en + b_en).reshape(-1, HIDDEN, HIDDEN)
    # conv1 + relu
    h = jax.nn.relu(_nnconv_mean(h, src, dst, we, b1, N_NODES))
    # conv2 + relu (same edge_nn weights -> same per-edge matrices)
    h = jax.nn.relu(_nnconv_mean(h, src, dst, we, b2, N_NODES))
    # edge prediction
    src_h = h[edge_list[:, 0]]
    dst_h = h[edge_list[:, 1]]
    edge_inputs = jnp.concatenate([src_h, dst_h], axis=1)
    z = jax.nn.relu(edge_inputs @ W_p1 + b_p1)
    logits = z @ W_p2 + b_p2
    return logits

if __name__ == "__main__":
    import jax
    _d = setup_inputs()
    print(jax.jit(kernel)(*tuple(_d.values())))

</pallas_src>

<mosaic_0001>
#map = affine_map<(d0, d1) -> (0, 0)>
#map1 = affine_map<(d0, d1) -> (0)>
module attributes {stable_mosaic.version = 14 : i64} {
  func.func @k(%arg0: i32, %arg1: i32, %arg2: memref<10000x16xf32, #tpu.memory_space<hbm>>, %arg3: memref<160000xi32, #tpu.memory_space<hbm>>, %arg4: memref<160000x16xf32, #tpu.memory_space<hbm>>, %arg5: memref<5000xi32, #tpu.memory_space<vmem>>, %arg6: memref<5000x16xf32, #tpu.memory_space<vmem>>, %arg7: memref<!tpu.dma_semaphore, #tpu.memory_space<semaphore_mem>>) attributes {dimension_semantics = [#tpu.dimension_semantics<core_parallel>, #tpu.dimension_semantics<subcore_parallel>], iteration_bounds = array<i64: 2, 16>, scalar_prefetch = 0 : i64, scratch_operands = 3 : i64, tpu.core_type = #tpu.core_type<sc_vector_subcore>, window_params = [{transform_indices = #map}, {transform_indices = #map1}, {transform_indices = #map}]} {
    %mul3A = arith.constant 2 : i32
    %mul3A_0 = arith.muli %arg1, %mul3A : i32
    %add3A = arith.addi %mul3A_0, %arg0 : i32
    %mul3A_1 = arith.constant 5000 : i32
    %mul3A_2 = arith.muli %add3A, %mul3A_1 : i32
    "tpu.region"() ({
      %run_scoped3A = tpu.sem_alloc : memref<!tpu.dma_semaphore, #tpu.memory_space<semaphore_mem>>
      %dma_start3A_7 = tpu.memref_slice %arg3[%mul3A_2] : memref<160000xi32, #tpu.memory_space<hbm>> -> memref<5000xi32, #tpu.memory_space<hbm>>
      %dma_start3A_8 = tpu.memref_slice %arg3[%mul3A_2] : memref<160000xi32, #tpu.memory_space<hbm>> -> memref<5000xi32, #tpu.memory_space<hbm>>
      tpu.enqueue_dma source(%dma_start3A_8 : memref<5000xi32, #tpu.memory_space<hbm>>) target(%arg5 : memref<5000xi32, #tpu.memory_space<vmem>>) target_semaphore(%run_scoped3A : memref<!tpu.dma_semaphore, #tpu.memory_space<semaphore_mem>>)
      %dma_wait3A_9 = tpu.memref_slice %arg3[%mul3A_2] : memref<160000xi32, #tpu.memory_space<hbm>> -> memref<5000xi32, #tpu.memory_space<hbm>>
      %dma_wait3A_10 = tpu.memref_slice %arg3[%mul3A_2] : memref<160000xi32, #tpu.memory_space<hbm>> -> memref<5000xi32, #tpu.memory_space<hbm>>
      tpu.wait_dma2 semaphore(%run_scoped3A : memref<!tpu.dma_semaphore, #tpu.memory_space<semaphore_mem>>) src(%dma_wait3A_10 : memref<5000xi32, #tpu.memory_space<hbm>>) dst(%arg5 : memref<5000xi32, #tpu.memory_space<vmem>>)
      tpu.yield
    }) : () -> ()
    %dma_start3A = arith.constant 0 : i32
    %dma_start3A_3 = arith.constant 0 : i32
    %dma_start3A_4 = tpu.memref_slice %arg2[%dma_start3A, %dma_start3A_3] : memref<10000x16xf32, #tpu.memory_space<hbm>> -> memref<10000x16xf32, #tpu.memory_space<hbm>>
    tpu.enqueue_indirect_dma source(%dma_start3A_4 : memref<10000x16xf32, #tpu.memory_space<hbm>>) target(%arg6 : memref<5000x16xf32, #tpu.memory_space<vmem>>) offsets(%arg5 : memref<5000xi32, #tpu.memory_space<vmem>>) semaphore(%arg7 : memref<!tpu.dma_semaphore, #tpu.memory_space<semaphore_mem>>)
    %dma_wait3A = arith.constant 0 : i32
    %dma_wait3A_5 = arith.constant 0 : i32
    %dma_wait3A_6 = tpu.memref_slice %arg2[%dma_wait3A, %dma_wait3A_5] : memref<10000x16xf32, #tpu.memory_space<hbm>> -> memref<10000x16xf32, #tpu.memory_space<hbm>>
    tpu.wait_indirect_dma semaphore(%arg7 : memref<!tpu.dma_semaphore, #tpu.memory_space<semaphore_mem>>) src(%dma_wait3A_6 : memref<10000x16xf32, #tpu.memory_space<hbm>>) dst(%arg6 : memref<5000x16xf32, #tpu.memory_space<vmem>>)
    "tpu.region"() ({
      %run_scoped3A = tpu.sem_alloc : memref<!tpu.dma_semaphore, #tpu.memory_space<semaphore_mem>>
      %dma_start3A_7 = arith.constant 0 : i32
      %dma_start3A_8 = tpu.memref_slice %arg4[%mul3A_2, %dma_start3A_7] : memref<160000x16xf32, #tpu.memory_space<hbm>> -> memref<5000x16xf32, #tpu.memory_space<hbm>>
      %dma_start3A_9 = arith.constant 0 : i32
      %dma_start3A_10 = tpu.memref_slice %arg4[%mul3A_2, %dma_start3A_9] : memref<160000x16xf32, #tpu.memory_space<hbm>> -> memref<5000x16xf32, #tpu.memory_space<hbm>>
      tpu.enqueue_dma source(%arg6 : memref<5000x16xf32, #tpu.memory_space<vmem>>) target(%dma_start3A_10 : memref<5000x16xf32, #tpu.memory_space<hbm>>) target_semaphore(%run_scoped3A : memref<!tpu.dma_semaphore, #tpu.memory_space<semaphore_mem>>)
      %dma_wait3A_11 = arith.constant 0 : i32
      %dma_wait3A_12 = tpu.memref_slice %arg4[%mul3A_2, %dma_wait3A_11] : memref<160000x16xf32, #tpu.memory_space<hbm>> -> memref<5000x16xf32, #tpu.memory_space<hbm>>
      %dma_wait3A_13 = arith.constant 0 : i32
      %dma_wait3A_14 = tpu.memref_slice %arg4[%mul3A_2, %dma_wait3A_13] : memref<160000x16xf32, #tpu.memory_space<hbm>> -> memref<5000x16xf32, #tpu.memory_space<hbm>>
      tpu.wait_dma2 semaphore(%run_scoped3A : memref<!tpu.dma_semaphore, #tpu.memory_space<semaphore_mem>>) src(%arg6 : memref<5000x16xf32, #tpu.memory_space<vmem>>) dst(%dma_wait3A_14 : memref<5000x16xf32, #tpu.memory_space<hbm>>)
      tpu.yield
    }) : () -> ()
    return
  }
}

#map = affine_map<(d0, d1) -> (0, 0)>
#map1 = affine_map<(d0, d1) -> (0)>
module attributes {stable_mosaic.version = 14 : i64} {
  func.func @k(%arg0: i32, %arg1: i32, %arg2: memref<160000x16xf32, #tpu.memory_space<hbm>>, %arg3: memref<160000xi32, #tpu.memory_space<hbm>>, %arg4: memref<10000x16xf32, #tpu.memory_space<hbm>>, %arg5: memref<20000x16xf32, #tpu.memory_space<hbm>>, %arg6: memref<5000xi32, #tpu.memory_space<vmem>>, %arg7: memref<5000x16xf32, #tpu.memory_space<vmem>>, %arg8: memref<10000x16xf32, #tpu.memory_space<vmem_shared>>) attributes {dimension_semantics = [#tpu.dimension_semantics<core_parallel>, #tpu.dimension_semantics<subcore_parallel>], iteration_bounds = array<i64: 2, 16>, scalar_prefetch = 0 : i64, scratch_operands = 3 : i64, tpu.core_type = #tpu.core_type<sc_vector_subcore>, window_params = [{transform_indices = #map}, {transform_indices = #map1}, {transform_indices = #map}, {transform_indices = #map}]} {
    %mul3A = arith.constant 2 : i32
    %mul3A_0 = arith.muli %arg1, %mul3A : i32
    %add3A = arith.addi %mul3A_0, %arg0 : i32
    %mul3A_1 = arith.constant 5000 : i32
    %mul3A_2 = arith.muli %add3A, %mul3A_1 : i32
    "tpu.region"() ({
      %run_scoped3A = tpu.sem_alloc : memref<!tpu.dma_semaphore, #tpu.memory_space<semaphore_mem>>
      %dma_start3A = tpu.memref_slice %arg3[%mul3A_2] : memref<160000xi32, #tpu.memory_space<hbm>> -> memref<5000xi32, #tpu.memory_space<hbm>>
      %dma_start3A_15 = tpu.memref_slice %arg3[%mul3A_2] : memref<160000xi32, #tpu.memory_space<hbm>> -> memref<5000xi32, #tpu.memory_space<hbm>>
      tpu.enqueue_dma source(%dma_start3A_15 : memref<5000xi32, #tpu.memory_space<hbm>>) target(%arg6 : memref<5000xi32, #tpu.memory_space<vmem>>) target_semaphore(%run_scoped3A : memref<!tpu.dma_semaphore, #tpu.memory_space<semaphore_mem>>)
      %dma_wait3A = tpu.memref_slice %arg3[%mul3A_2] : memref<160000xi32, #tpu.memory_space<hbm>> -> memref<5000xi32, #tpu.memory_space<hbm>>
      %dma_wait3A_16 = tpu.memref_slice %arg3[%mul3A_2] : memref<160000xi32, #tpu.memory_space<hbm>> -> memref<5000xi32, #tpu.memory_space<hbm>>
      tpu.wait_dma2 semaphore(%run_scoped3A : memref<!tpu.dma_semaphore, #tpu.memory_space<semaphore_mem>>) src(%dma_wait3A_16 : memref<5000xi32, #tpu.memory_space<hbm>>) dst(%arg6 : memref<5000xi32, #tpu.memory_space<vmem>>)
      tpu.yield
    }) : () -> ()
    "tpu.region"() ({
      %run_scoped3A = tpu.sem_alloc : memref<!tpu.dma_semaphore, #tpu.memory_space<semaphore_mem>>
      %dma_start3A = arith.constant 0 : i32
      %dma_start3A_15 = tpu.memref_slice %arg2[%mul3A_2, %dma_start3A] : memref<160000x16xf32, #tpu.memory_space<hbm>> -> memref<5000x16xf32, #tpu.memory_space<hbm>>
      %dma_start3A_16 = arith.constant 0 : i32
      %dma_start3A_17 = tpu.memref_slice %arg2[%mul3A_2, %dma_start3A_16] : memref<160000x16xf32, #tpu.memory_space<hbm>> -> memref<5000x16xf32, #tpu.memory_space<hbm>>
      tpu.enqueue_dma source(%dma_start3A_17 : memref<5000x16xf32, #tpu.memory_space<hbm>>) target(%arg7 : memref<5000x16xf32, #tpu.memory_space<vmem>>) target_semaphore(%run_scoped3A : memref<!tpu.dma_semaphore, #tpu.memory_space<semaphore_mem>>)
      %dma_wait3A = arith.constant 0 : i32
      %dma_wait3A_18 = tpu.memref_slice %arg2[%mul3A_2, %dma_wait3A] : memref<160000x16xf32, #tpu.memory_space<hbm>> -> memref<5000x16xf32, #tpu.memory_space<hbm>>
      %dma_wait3A_19 = arith.constant 0 : i32
      %dma_wait3A_20 = tpu.memref_slice %arg2[%mul3A_2, %dma_wait3A_19] : memref<160000x16xf32, #tpu.memory_space<hbm>> -> memref<5000x16xf32, #tpu.memory_space<hbm>>
      tpu.wait_dma2 semaphore(%run_scoped3A : memref<!tpu.dma_semaphore, #tpu.memory_space<semaphore_mem>>) src(%dma_wait3A_20 : memref<5000x16xf32, #tpu.memory_space<hbm>>) dst(%arg7 : memref<5000x16xf32, #tpu.memory_space<vmem>>)
      tpu.yield
    }) : () -> ()
    %mul3A_3 = arith.constant 625 : i32
    %mul3A_4 = arith.muli %arg1, %mul3A_3 : i32
    %mul3A_5 = arith.constant 625 : i32
    %mul3A_6 = arith.muli %arg1, %mul3A_5 : i32
    "tpu.region"() ({
      %run_scoped3A = tpu.sem_alloc : memref<!tpu.dma_semaphore, #tpu.memory_space<semaphore_mem>>
      %dma_start3A = arith.constant 0 : i32
      %dma_start3A_15 = tpu.memref_slice %arg8[%mul3A_6, %dma_start3A] : memref<10000x16xf32, #tpu.memory_space<vmem_shared>> -> memref<625x16xf32, #tpu.memory_space<vmem_shared>>
      %dma_start3A_16 = arith.constant 0 : i32
      %dma_start3A_17 = tpu.memref_slice %arg4[%mul3A_4, %dma_start3A_16] : memref<10000x16xf32, #tpu.memory_space<hbm>> -> memref<625x16xf32, #tpu.memory_space<hbm>>
      tpu.enqueue_dma source(%dma_start3A_17 : memref<625x16xf32, #tpu.memory_space<hbm>>) target(%dma_start3A_15 : memref<625x16xf32, #tpu.memory_space<vmem_shared>>) target_semaphore(%run_scoped3A : memref<!tpu.dma_semaphore, #tpu.memory_space<semaphore_mem>>)
      %dma_wait3A = arith.constant 0 : i32
      %dma_wait3A_18 = tpu.memref_slice %arg8[%mul3A_6, %dma_wait3A] : memref<10000x16xf32, #tpu.memory_space<vmem_shared>> -> memref<625x16xf32, #tpu.memory_space<vmem_shared>>
      %dma_wait3A_19 = arith.constant 0 : i32
      %dma_wait3A_20 = tpu.memref_slice %arg4[%mul3A_4, %dma_wait3A_19] : memref<10000x16xf32, #tpu.memory_space<hbm>> -> memref<625x16xf32, #tpu.memory_space<hbm>>
      tpu.wait_dma2 semaphore(%run_scoped3A : memref<!tpu.dma_semaphore, #tpu.memory_space<semaphore_mem>>) src(%dma_wait3A_20 : memref<625x16xf32, #tpu.memory_space<hbm>>) dst(%dma_wait3A_18 : memref<625x16xf32, #tpu.memory_space<vmem_shared>>)
      tpu.yield
    }) : () -> ()
    %barrier3A = arith.constant 0 : index
    tpu.barrier barrier_id(%barrier3A)
    "tpu.region"() ({
      %run_scoped3A = tpu.sem_alloc : memref<!tpu.dma_semaphore, #tpu.memory_space<semaphore_mem>>
      %dma_start3A = arith.constant 0 : i32
      %dma_start3A_15 = arith.constant 0 : i32
      %dma_start3A_16 = tpu.memref_slice %arg8[%dma_start3A, %dma_start3A_15] : memref<10000x16xf32, #tpu.memory_space<vmem_shared>> -> memref<10000x16xf32, #tpu.memory_space<vmem_shared>>
      tpu.enqueue_indirect_dma source(%arg7 : memref<5000x16xf32, #tpu.memory_space<vmem>>) target(%dma_start3A_16 : memref<10000x16xf32, #tpu.memory_space<vmem_shared>>) offsets(%arg6 : memref<5000xi32, #tpu.memory_space<vmem>>) semaphore(%run_scoped3A : memref<!tpu.dma_semaphore, #tpu.memory_space<semaphore_mem>>) {add = true}
      %dma_wait3A = arith.constant 0 : i32
      %dma_wait3A_17 = arith.constant 0 : i32
      %dma_wait3A_18 = tpu.memref_slice %arg8[%dma_wait3A, %dma_wait3A_17] : memref<10000x16xf32, #tpu.memory_space<vmem_shared>> -> memref<10000x16xf32, #tpu.memory_space<vmem_shared>>
      tpu.wait_indirect_dma semaphore(%run_scoped3A : memref<!tpu.dma_semaphore, #tpu.memory_space<semaphore_mem>>) src(%arg7 : memref<5000x16xf32, #tpu.memory_space<vmem>>) dst(%dma_wait3A_18 : memref<10000x16xf32, #tpu.memory_space<vmem_shared>>)
      tpu.yield
    }) : () -> ()
    %barrier3A_7 = arith.constant 0 : index
    tpu.barrier barrier_id(%barrier3A_7)
    %mul3A_8 = arith.constant 625 : i32
    %mul3A_9 = arith.muli %arg1, %mul3A_8 : i32
    %mul3A_10 = arith.constant 10000 : i32
    %mul3A_11 = arith.muli %arg0, %mul3A_10 : i32
    %mul3A_12 = arith.constant 625 : i32
    %mul3A_13 = arith.muli %arg1, %mul3A_12 : i32
    %add3A_14 = arith.addi %mul3A_11, %mul3A_13 : i32
    "tpu.region"() ({
      %run_scoped3A = tpu.sem_alloc : memref<!tpu.dma_semaphore, #tpu.memory_space<semaphore_mem>>
      %dma_start3A = arith.constant 0 : i32
      %dma_start3A_15 = tpu.memref_slice %arg5[%add3A_14, %dma_start3A] : memref<20000x16xf32, #tpu.memory_space<hbm>> -> memref<625x16xf32, #tpu.memory_space<hbm>>
      %dma_start3A_16 = arith.constant 0 : i32
      %dma_start3A_17 = tpu.memref_slice %arg8[%mul3A_9, %dma_start3A_16] : memref<10000x16xf32, #tpu.memory_space<vmem_shared>> -> memref<625x16xf32, #tpu.memory_space<vmem_shared>>
      tpu.enqueue_dma source(%dma_start3A_17 : memref<625x16xf32, #tpu.memory_space<vmem_shared>>) target(%dma_start3A_15 : memref<625x16xf32, #tpu.memory_space<hbm>>) target_semaphore(%run_scoped3A : memref<!tpu.dma_semaphore, #tpu.memory_space<semaphore_mem>>)
      %dma_wait3A = arith.constant 0 : i32
      %dma_wait3A_18 = tpu.memref_slice %arg5[%add3A_14, %dma_wait3A] : memref<20000x16xf32, #tpu.memory_space<hbm>> -> memref<625x16xf32, #tpu.memory_space<hbm>>
      %dma_wait3A_19 = arith.constant 0 : i32
      %dma_wait3A_20 = tpu.memref_slice %arg8[%mul3A_9, %dma_wait3A_19] : memref<10000x16xf32, #tpu.memory_space<vmem_shared>> -> memref<625x16xf32, #tpu.memory_space<vmem_shared>>
      tpu.wait_dma2 semaphore(%run_scoped3A : memref<!tpu.dma_semaphore, #tpu.memory_space<semaphore_mem>>) src(%dma_wait3A_20 : memref<625x16xf32, #tpu.memory_space<vmem_shared>>) dst(%dma_wait3A_18 : memref<625x16xf32, #tpu.memory_space<hbm>>)
      tpu.yield
    }) : () -> ()
    return
  }
}

#map = affine_map<(d0, d1) -> (0, 0)>
#map1 = affine_map<(d0, d1) -> (0)>
module attributes {stable_mosaic.version = 14 : i64} {
  func.func @k(%arg0: i32, %arg1: i32, %arg2: memref<10000x16xf32, #tpu.memory_space<hbm>>, %arg3: memref<160000xi32, #tpu.memory_space<hbm>>, %arg4: memref<160000x16xf32, #tpu.memory_space<hbm>>, %arg5: memref<5000xi32, #tpu.memory_space<vmem>>, %arg6: memref<5000x16xf32, #tpu.memory_space<vmem>>, %arg7: memref<!tpu.dma_semaphore, #tpu.memory_space<semaphore_mem>>) attributes {dimension_semantics = [#tpu.dimension_semantics<core_parallel>, #tpu.dimension_semantics<subcore_parallel>], iteration_bounds = array<i64: 2, 16>, scalar_prefetch = 0 : i64, scratch_operands = 3 : i64, tpu.core_type = #tpu.core_type<sc_vector_subcore>, window_params = [{transform_indices = #map}, {transform_indices = #map1}, {transform_indices = #map}]} {
    %mul3A = arith.constant 2 : i32
    %mul3A_0 = arith.muli %arg1, %mul3A : i32
    %add3A = arith.addi %mul3A_0, %arg0 : i32
    %mul3A_1 = arith.constant 5000 : i32
    %mul3A_2 = arith.muli %add3A, %mul3A_1 : i32
    "tpu.region"() ({
      %run_scoped3A = tpu.sem_alloc : memref<!tpu.dma_semaphore, #tpu.memory_space<semaphore_mem>>
      %dma_start3A_7 = tpu.memref_slice %arg3[%mul3A_2] : memref<160000xi32, #tpu.memory_space<hbm>> -> memref<5000xi32, #tpu.memory_space<hbm>>
      %dma_start3A_8 = tpu.memref_slice %arg3[%mul3A_2] : memref<160000xi32, #tpu.memory_space<hbm>> -> memref<5000xi32, #tpu.memory_space<hbm>>
      tpu.enqueue_dma source(%dma_start3A_8 : memref<5000xi32, #tpu.memory_space<hbm>>) target(%arg5 : memref<5000xi32, #tpu.memory_space<vmem>>) target_semaphore(%run_scoped3A : memref<!tpu.dma_semaphore, #tpu.memory_space<semaphore_mem>>)
      %dma_wait3A_9 = tpu.memref_slice %arg3[%mul3A_2] : memref<160000xi32, #tpu.memory_space<hbm>> -> memref<5000xi32, #tpu.memory_space<hbm>>
      %dma_wait3A_10 = tpu.memref_slice %arg3[%mul3A_2] : memref<160000xi32, #tpu.memory_space<hbm>> -> memref<5000xi32, #tpu.memory_space<hbm>>
      tpu.wait_dma2 semaphore(%run_scoped3A : memref<!tpu.dma_semaphore, #tpu.memory_space<semaphore_mem>>) src(%dma_wait3A_10 : memref<5000xi32, #tpu.memory_space<hbm>>) dst(%arg5 : memref<5000xi32, #tpu.memory_space<vmem>>)
      tpu.yield
    }) : () -> ()
    %dma_start3A = arith.constant 0 : i32
    %dma_start3A_3 = arith.constant 0 : i32
    %dma_start3A_4 = tpu.memref_slice %arg2[%dma_start3A, %dma_start3A_3] : memref<10000x16xf32, #tpu.memory_space<hbm>> -> memref<10000x16xf32, #tpu.memory_space<hbm>>
    tpu.enqueue_indirect_dma source(%dma_start3A_4 : memref<10000x16xf32, #tpu.memory_space<hbm>>) target(%arg6 : memref<5000x16xf32, #tpu.memory_space<vmem>>) offsets(%arg5 : memref<5000xi32, #tpu.memory_space<vmem>>) semaphore(%arg7 : memref<!tpu.dma_semaphore, #tpu.memory_space<semaphore_mem>>)
    %dma_wait3A = arith.constant 0 : i32
    %dma_wait3A_5 = arith.constant 0 : i32
    %dma_wait3A_6 = tpu.memref_slice %arg2[%dma_wait3A, %dma_wait3A_5] : memref<10000x16xf32, #tpu.memory_space<hbm>> -> memref<10000x16xf32, #tpu.memory_space<hbm>>
    tpu.wait_indirect_dma semaphore(%arg7 : memref<!tpu.dma_semaphore, #tpu.memory_space<semaphore_mem>>) src(%dma_wait3A_6 : memref<10000x16xf32, #tpu.memory_space<hbm>>) dst(%arg6 : memref<5000x16xf32, #tpu.memory_space<vmem>>)
    "tpu.region"() ({
      %run_scoped3A = tpu.sem_alloc : memref<!tpu.dma_semaphore, #tpu.memory_space<semaphore_mem>>
      %dma_start3A_7 = arith.constant 0 : i32
      %dma_start3A_8 = tpu.memref_slice %arg4[%mul3A_2, %dma_start3A_7] : memref<160000x16xf32, #tpu.memory_space<hbm>> -> memref<5000x16xf32, #tpu.memory_space<hbm>>
      %dma_start3A_9 = arith.constant 0 : i32
      %dma_start3A_10 = tpu.memref_slice %arg4[%mul3A_2, %dma_start3A_9] : memref<160000x16xf32, #tpu.memory_space<hbm>> -> memref<5000x16xf32, #tpu.memory_space<hbm>>
      tpu.enqueue_dma source(%arg6 : memref<5000x16xf32, #tpu.memory_space<vmem>>) target(%dma_start3A_10 : memref<5000x16xf32, #tpu.memory_space<hbm>>) target_semaphore(%run_scoped3A : memref<!tpu.dma_semaphore, #tpu.memory_space<semaphore_mem>>)
      %dma_wait3A_11 = arith.constant 0 : i32
      %dma_wait3A_12 = tpu.memref_slice %arg4[%mul3A_2, %dma_wait3A_11] : memref<160000x16xf32, #tpu.memory_space<hbm>> -> memref<5000x16xf32, #tpu.memory_space<hbm>>
      %dma_wait3A_13 = arith.constant 0 : i32
      %dma_wait3A_14 = tpu.memref_slice %arg4[%mul3A_2, %dma_wait3A_13] : memref<160000x16xf32, #tpu.memory_space<hbm>> -> memref<5000x16xf32, #tpu.memory_space<hbm>>
      tpu.wait_dma2 semaphore(%run_scoped3A : memref<!tpu.dma_semaphore, #tpu.memory_space<semaphore_mem>>) src(%arg6 : memref<5000x16xf32, #tpu.memory_space<vmem>>) dst(%dma_wait3A_14 : memref<5000x16xf32, #tpu.memory_space<hbm>>)
      tpu.yield
    }) : () -> ()
    return
  }
}

#map = affine_map<(d0, d1) -> (0, 0)>
#map1 = affine_map<(d0, d1) -> (0)>
module attributes {stable_mosaic.version = 14 : i64} {
  func.func @k(%arg0: i32, %arg1: i32, %arg2: memref<5000x16xf32, #tpu.memory_space<hbm>>, %arg3: memref<160000xi32, #tpu.memory_space<hbm>>, %arg4: memref<10000x16xf32, #tpu.memory_space<hbm>>, %arg5: memref<20000x16xf32, #tpu.memory_space<hbm>>, %arg6: memref<5000xi32, #tpu.memory_space<vmem>>, %arg7: memref<5000x16xf32, #tpu.memory_space<vmem>>, %arg8: memref<10000x16xf32, #tpu.memory_space<vmem_shared>>) attributes {dimension_semantics = [#tpu.dimension_semantics<core_parallel>, #tpu.dimension_semantics<subcore_parallel>], iteration_bounds = array<i64: 2, 16>, scalar_prefetch = 0 : i64, scratch_operands = 3 : i64, tpu.core_type = #tpu.core_type<sc_vector_subcore>, window_params = [{transform_indices = #map}, {transform_indices = #map1}, {transform_indices = #map}, {transform_indices = #map}]} {
    %mul3A = arith.constant 2 : i32
    %mul3A_0 = arith.muli %arg1, %mul3A : i32
    %add3A = arith.addi %mul3A_0, %arg0 : i32
    %mul3A_1 = arith.constant 5000 : i32
    %mul3A_2 = arith.muli %add3A, %mul3A_1 : i32
    "tpu.region"() ({
      %run_scoped3A = tpu.sem_alloc : memref<!tpu.dma_semaphore, #tpu.memory_space<semaphore_mem>>
      %dma_start3A = tpu.memref_slice %arg3[%mul3A_2] : memref<160000xi32, #tpu.memory_space<hbm>> -> memref<5000xi32, #tpu.memory_space<hbm>>
      %dma_start3A_15 = tpu.memref_slice %arg3[%mul3A_2] : memref<160000xi32, #tpu.memory_space<hbm>> -> memref<5000xi32, #tpu.memory_space<hbm>>
      tpu.enqueue_dma source(%dma_start3A_15 : memref<5000xi32, #tpu.memory_space<hbm>>) target(%arg6 : memref<5000xi32, #tpu.memory_space<vmem>>) target_semaphore(%run_scoped3A : memref<!tpu.dma_semaphore, #tpu.memory_space<semaphore_mem>>)
      %dma_wait3A = tpu.memref_slice %arg3[%mul3A_2] : memref<160000xi32, #tpu.memory_space<hbm>> -> memref<5000xi32, #tpu.memory_space<hbm>>
      %dma_wait3A_16 = tpu.memref_slice %arg3[%mul3A_2] : memref<160000xi32, #tpu.memory_space<hbm>> -> memref<5000xi32, #tpu.memory_space<hbm>>
      tpu.wait_dma2 semaphore(%run_scoped3A : memref<!tpu.dma_semaphore, #tpu.memory_space<semaphore_mem>>) src(%dma_wait3A_16 : memref<5000xi32, #tpu.memory_space<hbm>>) dst(%arg6 : memref<5000xi32, #tpu.memory_space<vmem>>)
      tpu.yield
    }) : () -> ()
    "tpu.region"() ({
      %run_scoped3A = tpu.sem_alloc : memref<!tpu.dma_semaphore, #tpu.memory_space<semaphore_mem>>
      tpu.enqueue_dma source(%arg2 : memref<5000x16xf32, #tpu.memory_space<hbm>>) target(%arg7 : memref<5000x16xf32, #tpu.memory_space<vmem>>) target_semaphore(%run_scoped3A : memref<!tpu.dma_semaphore, #tpu.memory_space<semaphore_mem>>)
      tpu.wait_dma2 semaphore(%run_scoped3A : memref<!tpu.dma_semaphore, #tpu.memory_space<semaphore_mem>>) src(%arg2 : memref<5000x16xf32, #tpu.memory_space<hbm>>) dst(%arg7 : memref<5000x16xf32, #tpu.memory_space<vmem>>)
      tpu.yield
    }) : () -> ()
    %mul3A_3 = arith.constant 625 : i32
    %mul3A_4 = arith.muli %arg1, %mul3A_3 : i32
    %mul3A_5 = arith.constant 625 : i32
    %mul3A_6 = arith.muli %arg1, %mul3A_5 : i32
    "tpu.region"() ({
      %run_scoped3A = tpu.sem_alloc : memref<!tpu.dma_semaphore, #tpu.memory_space<semaphore_mem>>
      %dma_start3A = arith.constant 0 : i32
      %dma_start3A_15 = tpu.memref_slice %arg8[%mul3A_6, %dma_start3A] : memref<10000x16xf32, #tpu.memory_space<vmem_shared>> -> memref<625x16xf32, #tpu.memory_space<vmem_shared>>
      %dma_start3A_16 = arith.constant 0 : i32
      %dma_start3A_17 = tpu.memref_slice %arg4[%mul3A_4, %dma_start3A_16] : memref<10000x16xf32, #tpu.memory_space<hbm>> -> memref<625x16xf32, #tpu.memory_space<hbm>>
      tpu.enqueue_dma source(%dma_start3A_17 : memref<625x16xf32, #tpu.memory_space<hbm>>) target(%dma_start3A_15 : memref<625x16xf32, #tpu.memory_space<vmem_shared>>) target_semaphore(%run_scoped3A : memref<!tpu.dma_semaphore, #tpu.memory_space<semaphore_mem>>)
      %dma_wait3A = arith.constant 0 : i32
      %dma_wait3A_18 = tpu.memref_slice %arg8[%mul3A_6, %dma_wait3A] : memref<10000x16xf32, #tpu.memory_space<vmem_shared>> -> memref<625x16xf32, #tpu.memory_space<vmem_shared>>
      %dma_wait3A_19 = arith.constant 0 : i32
      %dma_wait3A_20 = tpu.memref_slice %arg4[%mul3A_4, %dma_wait3A_19] : memref<10000x16xf32, #tpu.memory_space<hbm>> -> memref<625x16xf32, #tpu.memory_space<hbm>>
      tpu.wait_dma2 semaphore(%run_scoped3A : memref<!tpu.dma_semaphore, #tpu.memory_space<semaphore_mem>>) src(%dma_wait3A_20 : memref<625x16xf32, #tpu.memory_space<hbm>>) dst(%dma_wait3A_18 : memref<625x16xf32, #tpu.memory_space<vmem_shared>>)
      tpu.yield
    }) : () -> ()
    %barrier3A = arith.constant 0 : index
    tpu.barrier barrier_id(%barrier3A)
    "tpu.region"() ({
      %run_scoped3A = tpu.sem_alloc : memref<!tpu.dma_semaphore, #tpu.memory_space<semaphore_mem>>
      %dma_start3A = arith.constant 0 : i32
      %dma_start3A_15 = arith.constant 0 : i32
      %dma_start3A_16 = tpu.memref_slice %arg8[%dma_start3A, %dma_start3A_15] : memref<10000x16xf32, #tpu.memory_space<vmem_shared>> -> memref<10000x16xf32, #tpu.memory_space<vmem_shared>>
      tpu.enqueue_indirect_dma source(%arg7 : memref<5000x16xf32, #tpu.memory_space<vmem>>) target(%dma_start3A_16 : memref<10000x16xf32, #tpu.memory_space<vmem_shared>>) offsets(%arg6 : memref<5000xi32, #tpu.memory_space<vmem>>) semaphore(%run_scoped3A : memref<!tpu.dma_semaphore, #tpu.memory_space<semaphore_mem>>) {add = true}
      %dma_wait3A = arith.constant 0 : i32
      %dma_wait3A_17 = arith.constant 0 : i32
      %dma_wait3A_18 = tpu.memref_slice %arg8[%dma_wait3A, %dma_wait3A_17] : memref<10000x16xf32, #tpu.memory_space<vmem_shared>> -> memref<10000x16xf32, #tpu.memory_space<vmem_shared>>
      tpu.wait_indirect_dma semaphore(%run_scoped3A : memref<!tpu.dma_semaphore, #tpu.memory_space<semaphore_mem>>) src(%arg7 : memref<5000x16xf32, #tpu.memory_space<vmem>>) dst(%dma_wait3A_18 : memref<10000x16xf32, #tpu.memory_space<vmem_shared>>)
      tpu.yield
    }) : () -> ()
    %barrier3A_7 = arith.constant 0 : index
    tpu.barrier barrier_id(%barrier3A_7)
    %mul3A_8 = arith.constant 625 : i32
    %mul3A_9 = arith.muli %arg1, %mul3A_8 : i32
    %mul3A_10 = arith.constant 10000 : i32
    %mul3A_11 = arith.muli %arg0, %mul3A_10 : i32
    %mul3A_12 = arith.constant 625 : i32
    %mul3A_13 = arith.muli %arg1, %mul3A_12 : i32
    %add3A_14 = arith.addi %mul3A_11, %mul3A_13 : i32
    "tpu.region"() ({
      %run_scoped3A = tpu.sem_alloc : memref<!tpu.dma_semaphore, #tpu.memory_space<semaphore_mem>>
      %dma_start3A = arith.constant 0 : i32
      %dma_start3A_15 = tpu.memref_slice %arg5[%add3A_14, %dma_start3A] : memref<20000x16xf32, #tpu.memory_space<hbm>> -> memref<625x16xf32, #tpu.memory_space<hbm>>
      %dma_start3A_16 = arith.constant 0 : i32
      %dma_start3A_17 = tpu.memref_slice %arg8[%mul3A_9, %dma_start3A_16] : memref<10000x16xf32, #tpu.memory_space<vmem_shared>> -> memref<625x16xf32, #tpu.memory_space<vmem_shared>>
      tpu.enqueue_dma source(%dma_start3A_17 : memref<625x16xf32, #tpu.memory_space<vmem_shared>>) target(%dma_start3A_15 : memref<625x16xf32, #tpu.memory_space<hbm>>) target_semaphore(%run_scoped3A : memref<!tpu.dma_semaphore, #tpu.memory_space<semaphore_mem>>)
      %dma_wait3A = arith.constant 0 : i32
      %dma_wait3A_18 = tpu.memref_slice %arg5[%add3A_14, %dma_wait3A] : memref<20000x16xf32, #tpu.memory_space<hbm>> -> memref<625x16xf32, #tpu.memory_space<hbm>>
      %dma_wait3A_19 = arith.constant 0 : i32
      %dma_wait3A_20 = tpu.memref_slice %arg8[%mul3A_9, %dma_wait3A_19] : memref<10000x16xf32, #tpu.memory_space<vmem_shared>> -> memref<625x16xf32, #tpu.memory_space<vmem_shared>>
      tpu.wait_dma2 semaphore(%run_scoped3A : memref<!tpu.dma_semaphore, #tpu.memory_space<semaphore_mem>>) src(%dma_wait3A_20 : memref<625x16xf32, #tpu.memory_space<vmem_shared>>) dst(%dma_wait3A_18 : memref<625x16xf32, #tpu.memory_space<hbm>>)
      tpu.yield
    }) : () -> ()
    return
  }
}

#map = affine_map<(d0, d1) -> (0, 0)>
#map1 = affine_map<(d0, d1) -> (0)>
module attributes {stable_mosaic.version = 14 : i64} {
  func.func @k(%arg0: i32, %arg1: i32, %arg2: memref<10000x16xf32, #tpu.memory_space<hbm>>, %arg3: memref<204800xi32, #tpu.memory_space<hbm>>, %arg4: memref<204800x16xf32, #tpu.memory_space<hbm>>, %arg5: memref<6400xi32, #tpu.memory_space<vmem>>, %arg6: memref<6400x16xf32, #tpu.memory_space<vmem>>, %arg7: memref<!tpu.dma_semaphore, #tpu.memory_space<semaphore_mem>>) attributes {dimension_semantics = [#tpu.dimension_semantics<core_parallel>, #tpu.dimension_semantics<subcore_parallel>], iteration_bounds = array<i64: 2, 16>, scalar_prefetch = 0 : i64, scratch_operands = 3 : i64, tpu.core_type = #tpu.core_type<sc_vector_subcore>, window_params = [{transform_indices = #map}, {transform_indices = #map1}, {transform_indices = #map}]} {
    %mul3A = arith.constant 2 : i32
    %mul3A_0 = arith.muli %arg1, %mul3A : i32
    %add3A = arith.addi %mul3A_0, %arg0 : i32
    %mul3A_1 = arith.constant 6400 : i32
    %mul3A_2 = arith.muli %add3A, %mul3A_1 : i32
    "tpu.region"() ({
      %run_scoped3A = tpu.sem_alloc : memref<!tpu.dma_semaphore, #tpu.memory_space<semaphore_mem>>
      %dma_start3A_7 = tpu.memref_slice %arg3[%mul3A_2] : memref<204800xi32, #tpu.memory_space<hbm>> -> memref<6400xi32, #tpu.memory_space<hbm>>
      %dma_start3A_8 = tpu.memref_slice %arg3[%mul3A_2] : memref<204800xi32, #tpu.memory_space<hbm>> -> memref<6400xi32, #tpu.memory_space<hbm>>
      tpu.enqueue_dma source(%dma_start3A_8 : memref<6400xi32, #tpu.memory_space<hbm>>) target(%arg5 : memref<6400xi32, #tpu.memory_space<vmem>>) target_semaphore(%run_scoped3A : memref<!tpu.dma_semaphore, #tpu.memory_space<semaphore_mem>>)
      %dma_wait3A_9 = tpu.memref_slice %arg3[%mul3A_2] : memref<204800xi32, #tpu.memory_space<hbm>> -> memref<6400xi32, #tpu.memory_space<hbm>>
      %dma_wait3A_10 = tpu.memref_slice %arg3[%mul3A_2] : memref<204800xi32, #tpu.memory_space<hbm>> -> memref<6400xi32, #tpu.memory_space<hbm>>
      tpu.wait_dma2 semaphore(%run_scoped3A : memref<!tpu.dma_semaphore, #tpu.memory_space<semaphore_mem>>) src(%dma_wait3A_10 : memref<6400xi32, #tpu.memory_space<hbm>>) dst(%arg5 : memref<6400xi32, #tpu.memory_space<vmem>>)
      tpu.yield
    }) : () -> ()
    %dma_start3A = arith.constant 0 : i32
    %dma_start3A_3 = arith.constant 0 : i32
    %dma_start3A_4 = tpu.memref_slice %arg2[%dma_start3A, %dma_start3A_3] : memref<10000x16xf32, #tpu.memory_space<hbm>> -> memref<10000x16xf32, #tpu.memory_space<hbm>>
    tpu.enqueue_indirect_dma source(%dma_start3A_4 : memref<10000x16xf32, #tpu.memory_space<hbm>>) target(%arg6 : memref<6400x16xf32, #tpu.memory_space<vmem>>) offsets(%arg5 : memref<6400xi32, #tpu.memory_space<vmem>>) semaphore(%arg7 : memref<!tpu.dma_semaphore, #tpu.memory_space<semaphore_mem>>)
    %dma_wait3A = arith.constant 0 : i32
    %dma_wait3A_5 = arith.constant 0 : i32
    %dma_wait3A_6 = tpu.memref_slice %arg2[%dma_wait3A, %dma_wait3A_5] : memref<10000x16xf32, #tpu.memory_space<hbm>> -> memref<10000x16xf32, #tpu.memory_space<hbm>>
    tpu.wait_indirect_dma semaphore(%arg7 : memref<!tpu.dma_semaphore, #tpu.memory_space<semaphore_mem>>) src(%dma_wait3A_6 : memref<10000x16xf32, #tpu.memory_space<hbm>>) dst(%arg6 : memref<6400x16xf32, #tpu.memory_space<vmem>>)
    "tpu.region"() ({
      %run_scoped3A = tpu.sem_alloc : memref<!tpu.dma_semaphore, #tpu.memory_space<semaphore_mem>>
      %dma_start3A_7 = arith.constant 0 : i32
      %dma_start3A_8 = tpu.memref_slice %arg4[%mul3A_2, %dma_start3A_7] : memref<204800x16xf32, #tpu.memory_space<hbm>> -> memref<6400x16xf32, #tpu.memory_space<hbm>>
      %dma_start3A_9 = arith.constant 0 : i32
      %dma_start3A_10 = tpu.memref_slice %arg4[%mul3A_2, %dma_start3A_9] : memref<204800x16xf32, #tpu.memory_space<hbm>> -> memref<6400x16xf32, #tpu.memory_space<hbm>>
      tpu.enqueue_dma source(%arg6 : memref<6400x16xf32, #tpu.memory_space<vmem>>) target(%dma_start3A_10 : memref<6400x16xf32, #tpu.memory_space<hbm>>) target_semaphore(%run_scoped3A : memref<!tpu.dma_semaphore, #tpu.memory_space<semaphore_mem>>)
      %dma_wait3A_11 = arith.constant 0 : i32
      %dma_wait3A_12 = tpu.memref_slice %arg4[%mul3A_2, %dma_wait3A_11] : memref<204800x16xf32, #tpu.memory_space<hbm>> -> memref<6400x16xf32, #tpu.memory_space<hbm>>
      %dma_wait3A_13 = arith.constant 0 : i32
      %dma_wait3A_14 = tpu.memref_slice %arg4[%mul3A_2, %dma_wait3A_13] : memref<204800x16xf32, #tpu.memory_space<hbm>> -> memref<6400x16xf32, #tpu.memory_space<hbm>>
      tpu.wait_dma2 semaphore(%run_scoped3A : memref<!tpu.dma_semaphore, #tpu.memory_space<semaphore_mem>>) src(%arg6 : memref<6400x16xf32, #tpu.memory_space<vmem>>) dst(%dma_wait3A_14 : memref<6400x16xf32, #tpu.memory_space<hbm>>)
      tpu.yield
    }) : () -> ()
    return
  }
}

#map = affine_map<(d0, d1) -> (0, 0)>
#map1 = affine_map<(d0, d1) -> (0)>
module attributes {stable_mosaic.version = 14 : i64} {
  func.func @k(%arg0: i32, %arg1: i32, %arg2: memref<160000x16xf32, #tpu.memory_space<hbm>>, %arg3: memref<160000xi32, #tpu.memory_space<hbm>>, %arg4: memref<10000x16xf32, #tpu.memory_space<hbm>>, %arg5: memref<20000x16xf32, #tpu.memory_space<hbm>>, %arg6: memref<5000xi32, #tpu.memory_space<vmem>>, %arg7: memref<5000x16xf32, #tpu.memory_space<vmem>>, %arg8: memref<10000x16xf32, #tpu.memory_space<vmem_shared>>) attributes {dimension_semantics = [#tpu.dimension_semantics<core_parallel>, #tpu.dimension_semantics<subcore_parallel>], iteration_bounds = array<i64: 2, 16>, scalar_prefetch = 0 : i64, scratch_operands = 3 : i64, tpu.core_type = #tpu.core_type<sc_vector_subcore>, window_params = [{transform_indices = #map}, {transform_indices = #map1}, {transform_indices = #map}, {transform_indices = #map}]} {
    %mul3A = arith.constant 2 : i32
    %mul3A_0 = arith.muli %arg1, %mul3A : i32
    %add3A = arith.addi %mul3A_0, %arg0 : i32
    %mul3A_1 = arith.constant 5000 : i32
    %mul3A_2 = arith.muli %add3A, %mul3A_1 : i32
    "tpu.region"() ({
      %run_scoped3A = tpu.sem_alloc : memref<!tpu.dma_semaphore, #tpu.memory_space<semaphore_mem>>
      %dma_start3A = tpu.memref_slice %arg3[%mul3A_2] : memref<160000xi32, #tpu.memory_space<hbm>> -> memref<5000xi32, #tpu.memory_space<hbm>>
      %dma_start3A_15 = tpu.memref_slice %arg3[%mul3A_2] : memref<160000xi32, #tpu.memory_space<hbm>> -> memref<5000xi32, #tpu.memory_space<hbm>>
      tpu.enqueue_dma source(%dma_start3A_15 : memref<5000xi32, #tpu.memory_space<hbm>>) target(%arg6 : memref<5000xi32, #tpu.memory_space<vmem>>) target_semaphore(%run_scoped3A : memref<!tpu.dma_semaphore, #tpu.memory_space<semaphore_mem>>)
      %dma_wait3A = tpu.memref_slice %arg3[%mul3A_2] : memref<160000xi32, #tpu.memory_space<hbm>> -> memref<5000xi32, #tpu.memory_space<hbm>>
      %dma_wait3A_16 = tpu.memref_slice %arg3[%mul3A_2] : memref<160000xi32, #tpu.memory_space<hbm>> -> memref<5000xi32, #tpu.memory_space<hbm>>
      tpu.wait_dma2 semaphore(%run_scoped3A : memref<!tpu.dma_semaphore, #tpu.memory_space<semaphore_mem>>) src(%dma_wait3A_16 : memref<5000xi32, #tpu.memory_space<hbm>>) dst(%arg6 : memref<5000xi32, #tpu.memory_space<vmem>>)
      tpu.yield
    }) : () -> ()
    "tpu.region"() ({
      %run_scoped3A = tpu.sem_alloc : memref<!tpu.dma_semaphore, #tpu.memory_space<semaphore_mem>>
      %dma_start3A = arith.constant 0 : i32
      %dma_start3A_15 = tpu.memref_slice %arg2[%mul3A_2, %dma_start3A] : memref<160000x16xf32, #tpu.memory_space<hbm>> -> memref<5000x16xf32, #tpu.memory_space<hbm>>
      %dma_start3A_16 = arith.constant 0 : i32
      %dma_start3A_17 = tpu.memref_slice %arg2[%mul3A_2, %dma_start3A_16] : memref<160000x16xf32, #tpu.memory_space<hbm>> -> memref<5000x16xf32, #tpu.memory_space<hbm>>
      tpu.enqueue_dma source(%dma_start3A_17 : memref<5000x16xf32, #tpu.memory_space<hbm>>) target(%arg7 : memref<5000x16xf32, #tpu.memory_space<vmem>>) target_semaphore(%run_scoped3A : memref<!tpu.dma_semaphore, #tpu.memory_space<semaphore_mem>>)
      %dma_wait3A = arith.constant 0 : i32
      %dma_wait3A_18 = tpu.memref_slice %arg2[%mul3A_2, %dma_wait3A] : memref<160000x16xf32, #tpu.memory_space<hbm>> -> memref<5000x16xf32, #tpu.memory_space<hbm>>
      %dma_wait3A_19 = arith.constant 0 : i32
      %dma_wait3A_20 = tpu.memref_slice %arg2[%mul3A_2, %dma_wait3A_19] : memref<160000x16xf32, #tpu.memory_space<hbm>> -> memref<5000x16xf32, #tpu.memory_space<hbm>>
      tpu.wait_dma2 semaphore(%run_scoped3A : memref<!tpu.dma_semaphore, #tpu.memory_space<semaphore_mem>>) src(%dma_wait3A_20 : memref<5000x16xf32, #tpu.memory_space<hbm>>) dst(%arg7 : memref<5000x16xf32, #tpu.memory_space<vmem>>)
      tpu.yield
    }) : () -> ()
    %mul3A_3 = arith.constant 625 : i32
    %mul3A_4 = arith.muli %arg1, %mul3A_3 : i32
    %mul3A_5 = arith.constant 625 : i32
    %mul3A_6 = arith.muli %arg1, %mul3A_5 : i32
    "tpu.region"() ({
      %run_scoped3A = tpu.sem_alloc : memref<!tpu.dma_semaphore, #tpu.memory_space<semaphore_mem>>
      %dma_start3A = arith.constant 0 : i32
      %dma_start3A_15 = tpu.memref_slice %arg8[%mul3A_6, %dma_start3A] : memref<10000x16xf32, #tpu.memory_space<vmem_shared>> -> memref<625x16xf32, #tpu.memory_space<vmem_shared>>
      %dma_start3A_16 = arith.constant 0 : i32
      %dma_start3A_17 = tpu.memref_slice %arg4[%mul3A_4, %dma_start3A_16] : memref<10000x16xf32, #tpu.memory_space<hbm>> -> memref<625x16xf32, #tpu.memory_space<hbm>>
      tpu.enqueue_dma source(%dma_start3A_17 : memref<625x16xf32, #tpu.memory_space<hbm>>) target(%dma_start3A_15 : memref<625x16xf32, #tpu.memory_space<vmem_shared>>) target_semaphore(%run_scoped3A : memref<!tpu.dma_semaphore, #tpu.memory_space<semaphore_mem>>)
      %dma_wait3A = arith.constant 0 : i32
      %dma_wait3A_18 = tpu.memref_slice %arg8[%mul3A_6, %dma_wait3A] : memref<10000x16xf32, #tpu.memory_space<vmem_shared>> -> memref<625x16xf32, #tpu.memory_space<vmem_shared>>
      %dma_wait3A_19 = arith.constant 0 : i32
      %dma_wait3A_20 = tpu.memref_slice %arg4[%mul3A_4, %dma_wait3A_19] : memref<10000x16xf32, #tpu.memory_space<hbm>> -> memref<625x16xf32, #tpu.memory_space<hbm>>
      tpu.wait_dma2 semaphore(%run_scoped3A : memref<!tpu.dma_semaphore, #tpu.memory_space<semaphore_mem>>) src(%dma_wait3A_20 : memref<625x16xf32, #tpu.memory_space<hbm>>) dst(%dma_wait3A_18 : memref<625x16xf32, #tpu.memory_space<vmem_shared>>)
      tpu.yield
    }) : () -> ()
    %barrier3A = arith.constant 0 : index
    tpu.barrier barrier_id(%barrier3A)
    "tpu.region"() ({
      %run_scoped3A = tpu.sem_alloc : memref<!tpu.dma_semaphore, #tpu.memory_space<semaphore_mem>>
      %dma_start3A = arith.constant 0 : i32
      %dma_start3A_15 = arith.constant 0 : i32
      %dma_start3A_16 = tpu.memref_slice %arg8[%dma_start3A, %dma_start3A_15] : memref<10000x16xf32, #tpu.memory_space<vmem_shared>> -> memref<10000x16xf32, #tpu.memory_space<vmem_shared>>
      tpu.enqueue_indirect_dma source(%arg7 : memref<5000x16xf32, #tpu.memory_space<vmem>>) target(%dma_start3A_16 : memref<10000x16xf32, #tpu.memory_space<vmem_shared>>) offsets(%arg6 : memref<5000xi32, #tpu.memory_space<vmem>>) semaphore(%run_scoped3A : memref<!tpu.dma_semaphore, #tpu.memory_space<semaphore_mem>>) {add = true}
      %dma_wait3A = arith.constant 0 : i32
      %dma_wait3A_17 = arith.constant 0 : i32
      %dma_wait3A_18 = tpu.memref_slice %arg8[%dma_wait3A, %dma_wait3A_17] : memref<10000x16xf32, #tpu.memory_space<vmem_shared>> -> memref<10000x16xf32, #tpu.memory_space<vmem_shared>>
      tpu.wait_indirect_dma semaphore(%run_scoped3A : memref<!tpu.dma_semaphore, #tpu.memory_space<semaphore_mem>>) src(%arg7 : memref<5000x16xf32, #tpu.memory_space<vmem>>) dst(%dma_wait3A_18 : memref<10000x16xf32, #tpu.memory_space<vmem_shared>>)
      tpu.yield
    }) : () -> ()
    %barrier3A_7 = arith.constant 0 : index
    tpu.barrier barrier_id(%barrier3A_7)
    %mul3A_8 = arith.constant 625 : i32
    %mul3A_9 = arith.muli %arg1, %mul3A_8 : i32
    %mul3A_10 = arith.constant 10000 : i32
    %mul3A_11 = arith.muli %arg0, %mul3A_10 : i32
    %mul3A_12 = arith.constant 625 : i32
    %mul3A_13 = arith.muli %arg1, %mul3A_12 : i32
    %add3A_14 = arith.addi %mul3A_11, %mul3A_13 : i32
    "tpu.region"() ({
      %run_scoped3A = tpu.sem_alloc : memref<!tpu.dma_semaphore, #tpu.memory_space<semaphore_mem>>
      %dma_start3A = arith.constant 0 : i32
      %dma_start3A_15 = tpu.memref_slice %arg5[%add3A_14, %dma_start3A] : memref<20000x16xf32, #tpu.memory_space<hbm>> -> memref<625x16xf32, #tpu.memory_space<hbm>>
      %dma_start3A_16 = arith.constant 0 : i32
      %dma_start3A_17 = tpu.memref_slice %arg8[%mul3A_9, %dma_start3A_16] : memref<10000x16xf32, #tpu.memory_space<vmem_shared>> -> memref<625x16xf32, #tpu.memory_space<vmem_shared>>
      tpu.enqueue_dma source(%dma_start3A_17 : memref<625x16xf32, #tpu.memory_space<vmem_shared>>) target(%dma_start3A_15 : memref<625x16xf32, #tpu.memory_space<hbm>>) target_semaphore(%run_scoped3A : memref<!tpu.dma_semaphore, #tpu.memory_space<semaphore_mem>>)
      %dma_wait3A = arith.constant 0 : i32
      %dma_wait3A_18 = tpu.memref_slice %arg5[%add3A_14, %dma_wait3A] : memref<20000x16xf32, #tpu.memory_space<hbm>> -> memref<625x16xf32, #tpu.memory_space<hbm>>
      %dma_wait3A_19 = arith.constant 0 : i32
      %dma_wait3A_20 = tpu.memref_slice %arg8[%mul3A_9, %dma_wait3A_19] : memref<10000x16xf32, #tpu.memory_space<vmem_shared>> -> memref<625x16xf32, #tpu.memory_space<vmem_shared>>
      tpu.wait_dma2 semaphore(%run_scoped3A : memref<!tpu.dma_semaphore, #tpu.memory_space<semaphore_mem>>) src(%dma_wait3A_20 : memref<625x16xf32, #tpu.memory_space<vmem_shared>>) dst(%dma_wait3A_18 : memref<625x16xf32, #tpu.memory_space<hbm>>)
      tpu.yield
    }) : () -> ()
    return
  }
}

module attributes {stable_mosaic.version = 14 : i64} {
  func.func @body(%arg0: memref<10000x128xf32, #tpu.memory_space<vmem>>, %arg1: memref<128x16xf32, #tpu.memory_space<vmem>>, %arg2: memref<1x16xf32, #tpu.memory_space<vmem>>, %arg3: memref<10000x16xf32, #tpu.memory_space<vmem>>) attributes {dimension_semantics = [], scalar_prefetch = 0 : i64, scratch_operands = 0 : i64, tpu.core_type = #tpu.core_type<tc>} {
    %get3A = arith.constant 0 : index
    %get3A_0 = arith.constant 0 : index
    %get3A_1 = vector.load %arg0[%get3A, %get3A_0] : memref<10000x128xf32, #tpu.memory_space<vmem>>, vector<10000x128xf32>
    %get3A_2 = arith.constant 0 : index
    %get3A_3 = arith.constant 0 : index
    %get3A_4 = vector.load %arg1[%get3A_2, %get3A_3] : memref<128x16xf32, #tpu.memory_space<vmem>>, vector<128x16xf32>
    %dot_general3A = arith.constant dense<0.000000e+00> : vector<10000x16xf32>
    %dot_general3A_5 = tpu.matmul %get3A_1, %get3A_4, %dot_general3A {dimension_numbers = #tpu.dot_dimension_numbers<[1], [0], [0], [1], [0, 0, 1, 1], [], []>, transpose_lhs_hint = false} : vector<10000x128xf32>, vector<128x16xf32>, vector<10000x16xf32> -> vector<10000x16xf32>
    %get3A_6 = arith.constant 0 : index
    %get3A_7 = arith.constant 0 : index
    %get3A_8 = vector.load %arg2[%get3A_6, %get3A_7] : memref<1x16xf32, #tpu.memory_space<vmem>>, vector<1x16xf32>
    %add3A = vector.broadcast %get3A_8 : vector<1x16xf32> to vector<10000x16xf32>
    %add3A_9 = arith.addf %dot_general3A_5, %add3A : vector<10000x16xf32>
    %swap3A = arith.constant 0 : index
    %swap3A_10 = arith.constant 0 : index
    %swap3A_11 = vector.load %arg3[%swap3A, %swap3A_10] : memref<10000x16xf32, #tpu.memory_space<vmem>>, vector<10000x16xf32>
    tpu.vector_store %arg3[%swap3A, %swap3A_10], %add3A_9 {strides = array<i32>} : memref<10000x16xf32, #tpu.memory_space<vmem>>, vector<10000x16xf32>,
    return
  }
}

module attributes {stable_mosaic.version = 14 : i64} {
  func.func @body(%arg0: i32, %arg1: memref<400x128xf32, #tpu.memory_space<vmem>>, %arg2: memref<400x128xf32, #tpu.memory_space<vmem>>, %arg3: memref<128x2048xf32, #tpu.memory_space<vmem>>, %arg4: memref<1x2048xf32, #tpu.memory_space<vmem>>, %arg5: memref<128x2048xf32, #tpu.memory_space<vmem>>, %arg6: memref<2048x128xf32, #tpu.memory_space<vmem>>, %arg7: memref<400x128xf32, #tpu.memory_space<vmem>>) attributes {dimension_semantics = [#tpu.dimension_semantics<arbitrary>], iteration_bounds = array<i64: 50>, scalar_prefetch = 0 : i64, scratch_operands = 0 : i64, tpu.core_type = #tpu.core_type<tc>, window_params = [{transform_indices = @transform_0, window_bounds = array<i64: 400, 128>}, {transform_indices = @transform_1, window_bounds = array<i64: 400, 128>}, {pipeline_mode = #tpu.pipeline_mode<synchronous>, transform_indices = @transform_2, window_bounds = array<i64: 128, 2048>}, {pipeline_mode = #tpu.pipeline_mode<synchronous>, transform_indices = @transform_3, window_bounds = array<i64: 1, 2048>}, {pipeline_mode = #tpu.pipeline_mode<synchronous>, transform_indices = @transform_4, window_bounds = array<i64: 128, 2048>}, {pipeline_mode = #tpu.pipeline_mode<synchronous>, transform_indices = @transform_5, window_bounds = array<i64: 2048, 128>}, {transform_indices = @transform_6, window_bounds = array<i64: 400, 128>}]} {
    %get3A = arith.constant 0 : index
    %get3A_0 = arith.constant 0 : index
    %get3A_1 = vector.load %arg1[%get3A, %get3A_0] : memref<400x128xf32, #tpu.memory_space<vmem>>, vector<400x128xf32>
    %get3A_2 = arith.constant 0 : index
    %get3A_3 = arith.constant 0 : index
    %get3A_4 = vector.load %arg3[%get3A_2, %get3A_3] : memref<128x2048xf32, #tpu.memory_space<vmem>>, vector<128x2048xf32>
    %dot_general3A = arith.constant dense<0.000000e+00> : vector<400x2048xf32>
    %dot_general3A_5 = tpu.matmul %get3A_1, %get3A_4, %dot_general3A {dimension_numbers = #tpu.dot_dimension_numbers<[1], [0], [0], [1], [0, 0, 1, 1], [], []>, transpose_lhs_hint = false} : vector<400x128xf32>, vector<128x2048xf32>, vector<400x2048xf32> -> vector<400x2048xf32>
    %get3A_6 = arith.constant 0 : index
    %get3A_7 = arith.constant 0 : index
    %get3A_8 = vector.load %arg4[%get3A_6, %get3A_7] : memref<1x2048xf32, #tpu.memory_space<vmem>>, vector<1x2048xf32>
    %add3A = vector.broadcast %get3A_8 : vector<1x2048xf32> to vector<400x2048xf32>
    %add3A_9 = arith.addf %dot_general3A_5, %add3A : vector<400x2048xf32>
    %max3A = arith.constant 0.000000e+00 : f32
    %max3A_10 = vector.broadcast %max3A : f32 to vector<400x2048xf32>
    %max3A_11 = arith.maximumf %add3A_9, %max3A_10 : vector<400x2048xf32>
    %get3A_12 = arith.constant 0 : index
    %get3A_13 = arith.constant 0 : index
    %get3A_14 = vector.load %arg2[%get3A_12, %get3A_13] : memref<400x128xf32, #tpu.memory_space<vmem>>, vector<400x128xf32>
    %get3A_15 = arith.constant 0 : index
    %get3A_16 = arith.constant 0 : index
    %get3A_17 = vector.load %arg5[%get3A_15, %get3A_16] : memref<128x2048xf32, #tpu.memory_space<vmem>>, vector<128x2048xf32>
    %dot_general3A_18 = arith.constant dense<0.000000e+00> : vector<400x2048xf32>
    %dot_general3A_19 = tpu.matmul %get3A_14, %get3A_17, %dot_general3A_18 {dimension_numbers = #tpu.dot_dimension_numbers<[1], [0], [0], [1], [0, 0, 1, 1], [], []>, precision = #tpu.contract_precision<fp32>, transpose_lhs_hint = false} : vector<400x128xf32>, vector<128x2048xf32>, vector<400x2048xf32> -> vector<400x2048xf32>
    %convert_element_type3A = arith.truncf %dot_general3A_19 : vector<400x2048xf32> to vector<400x2048xbf16>
    %convert_element_type3A_20 = arith.extf %convert_element_type3A : vector<400x2048xbf16> to vector<400x2048xf32>
    %convert_element_type3A_21 = arith.truncf %max3A_11 : vector<400x2048xf32> to vector<400x2048xbf16>
    %convert_element_type3A_22 = arith.extf %convert_element_type3A_21 : vector<400x2048xbf16> to vector<400x2048xf32>
    %mul3A = arith.mulf %convert_element_type3A_20, %convert_element_type3A_22 : vector<400x2048xf32>
    %get3A_23 = arith.constant 0 : index
    %get3A_24 = arith.constant 0 : index
    %get3A_25 = vector.load %arg6[%get3A_23, %get3A_24] : memref<2048x128xf32, #tpu.memory_space<vmem>>, vector<2048x128xf32>
    %dot_general3A_26 = arith.constant dense<0.000000e+00> : vector<400x128xf32>
    %dot_general3A_27 = tpu.matmul %mul3A, %get3A_25, %dot_general3A_26 {dimension_numbers = #tpu.dot_dimension_numbers<[1], [0], [0], [1], [0, 0, 1, 1], [], []>, precision = #tpu.contract_precision<fp32>, transpose_lhs_hint = false} : vector<400x2048xf32>, vector<2048x128xf32>, vector<400x128xf32> -> vector<400x128xf32>
    %swap3A = arith.constant 0 : index
    %swap3A_28 = arith.constant 0 : index
    %swap3A_29 = vector.load %arg7[%swap3A, %swap3A_28] : memref<400x128xf32, #tpu.memory_space<vmem>>, vector<400x128xf32>
    tpu.vector_store %arg7[%swap3A, %swap3A_28], %dot_general3A_27 {strides = array<i32>} : memref<400x128xf32, #tpu.memory_space<vmem>>, vector<400x128xf32>,
    return
  }
  func.func @transform_0(%arg0: i32) -> (i32, i32) {
    %c0_i32 = arith.constant 0 : i32
    %c0_i32_0 = arith.constant 0 : i32
    return %arg0, %c0_i32 : i32, i32
  }
  func.func @transform_1(%arg0: i32) -> (i32, i32) {
    %c0_i32 = arith.constant 0 : i32
    %c0_i32_0 = arith.constant 0 : i32
    return %arg0, %c0_i32 : i32, i32
  }
  func.func @transform_2(%arg0: i32) -> (i32, i32) {
    %c0_i32 = arith.constant 0 : i32
    %c0_i32_0 = arith.constant 0 : i32
    %c0_i32_1 = arith.constant 0 : i32
    return %c0_i32, %c0_i32_0 : i32, i32
  }
  func.func @transform_3(%arg0: i32) -> (i32, i32) {
    %c0_i32 = arith.constant 0 : i32
    %c0_i32_0 = arith.constant 0 : i32
    %c0_i32_1 = arith.constant 0 : i32
    return %c0_i32, %c0_i32_0 : i32, i32
  }
  func.func @transform_4(%arg0: i32) -> (i32, i32) {
    %c0_i32 = arith.constant 0 : i32
    %c0_i32_0 = arith.constant 0 : i32
    %c0_i32_1 = arith.constant 0 : i32
    return %c0_i32, %c0_i32_0 : i32, i32
  }
  func.func @transform_5(%arg0: i32) -> (i32, i32) {
    %c0_i32 = arith.constant 0 : i32
    %c0_i32_0 = arith.constant 0 : i32
    %c0_i32_1 = arith.constant 0 : i32
    return %c0_i32, %c0_i32_0 : i32, i32
  }
  func.func @transform_6(%arg0: i32) -> (i32, i32) {
    %c0_i32 = arith.constant 0 : i32
    %c0_i32_0 = arith.constant 0 : i32
    return %arg0, %c0_i32 : i32, i32
  }
}

module attributes {stable_mosaic.version = 14 : i64} {
  func.func @body(%arg0: memref<1250x128xf32, #tpu.memory_space<vmem>>, %arg1: memref<1250x128xf32, #tpu.memory_space<vmem>>, %arg2: memref<1250x128xf32, #tpu.memory_space<vmem>>, %arg3: memref<1250x128xf32, #tpu.memory_space<vmem>>, %arg4: memref<1x128xf32, #tpu.memory_space<vmem>>, %arg5: memref<1250x128xf32, #tpu.memory_space<vmem>>) attributes {dimension_semantics = [], scalar_prefetch = 0 : i64, scratch_operands = 0 : i64, tpu.core_type = #tpu.core_type<tc>} {
    %get3A = arith.constant 0 : index
    %get3A_0 = arith.constant 0 : index
    %get3A_1 = vector.load %arg0[%get3A, %get3A_0] : memref<1250x128xf32, #tpu.memory_space<vmem>>, vector<1250x128xf32>
    %get3A_2 = arith.constant 0 : index
    %get3A_3 = arith.constant 0 : index
    %get3A_4 = vector.load %arg1[%get3A_2, %get3A_3] : memref<1250x128xf32, #tpu.memory_space<vmem>>, vector<1250x128xf32>
    %add3A = arith.addf %get3A_1, %get3A_4 : vector<1250x128xf32>
    %get3A_5 = arith.constant 0 : index
    %get3A_6 = arith.constant 0 : index
    %get3A_7 = vector.load %arg2[%get3A_5, %get3A_6] : memref<1250x128xf32, #tpu.memory_space<vmem>>, vector<1250x128xf32>
    %get3A_8 = arith.constant 0 : index
    %get3A_9 = arith.constant 0 : index
    %get3A_10 = vector.load %arg3[%get3A_8, %get3A_9] : memref<1250x128xf32, #tpu.memory_space<vmem>>, vector<1250x128xf32>
    %add3A_11 = arith.addf %get3A_7, %get3A_10 : vector<1250x128xf32>
    %max3A = arith.constant 1.000000e+00 : f32
    %max3A_12 = vector.broadcast %max3A : f32 to vector<1250x128xf32>
    %max3A_13 = arith.maximumf %add3A_11, %max3A_12 : vector<1250x128xf32>
    %div3A = arith.divf %add3A, %max3A_13 : vector<1250x128xf32>
    %get3A_14 = arith.constant 0 : index
    %get3A_15 = arith.constant 0 : index
    %get3A_16 = vector.load %arg4[%get3A_14, %get3A_15] : memref<1x128xf32, #tpu.memory_space<vmem>>, vector<1x128xf32>
    %add3A_17 = vector.broadcast %get3A_16 : vector<1x128xf32> to vector<1250x128xf32>
    %add3A_18 = arith.addf %div3A, %add3A_17 : vector<1250x128xf32>
    %max3A_19 = arith.constant 0.000000e+00 : f32
    %max3A_20 = vector.broadcast %max3A_19 : f32 to vector<1250x128xf32>
    %max3A_21 = arith.maximumf %add3A_18, %max3A_20 : vector<1250x128xf32>
    %swap3A = arith.constant 0 : index
    %swap3A_22 = arith.constant 0 : index
    %swap3A_23 = vector.load %arg5[%swap3A, %swap3A_22] : memref<1250x128xf32, #tpu.memory_space<vmem>>, vector<1250x128xf32>
    tpu.vector_store %arg5[%swap3A, %swap3A_22], %max3A_21 {strides = array<i32>} : memref<1250x128xf32, #tpu.memory_space<vmem>>, vector<1250x128xf32>,
    return
  }
}

module attributes {stable_mosaic.version = 14 : i64} {
  func.func @body(%arg0: i32, %arg1: memref<800x128xf32, #tpu.memory_space<vmem>>, %arg2: memref<800x128xf32, #tpu.memory_space<vmem>>, %arg3: memref<128x128xf32, #tpu.memory_space<vmem>>, %arg4: memref<128x128xf32, #tpu.memory_space<vmem>>, %arg5: memref<1x128xf32, #tpu.memory_space<vmem>>, %arg6: memref<128x8xf32, #tpu.memory_space<vmem>>, %arg7: memref<1x8xf32, #tpu.memory_space<vmem>>, %arg8: memref<800x8xf32, #tpu.memory_space<vmem>>) attributes {dimension_semantics = [#tpu.dimension_semantics<arbitrary>], iteration_bounds = array<i64: 16>, scalar_prefetch = 0 : i64, scratch_operands = 0 : i64, tpu.core_type = #tpu.core_type<tc>, window_params = [{transform_indices = @transform_0, window_bounds = array<i64: 800, 128>}, {transform_indices = @transform_1, window_bounds = array<i64: 800, 128>}, {pipeline_mode = #tpu.pipeline_mode<synchronous>, transform_indices = @transform_2, window_bounds = array<i64: 128, 128>}, {pipeline_mode = #tpu.pipeline_mode<synchronous>, transform_indices = @transform_3, window_bounds = array<i64: 128, 128>}, {pipeline_mode = #tpu.pipeline_mode<synchronous>, transform_indices = @transform_4, window_bounds = array<i64: 1, 128>}, {pipeline_mode = #tpu.pipeline_mode<synchronous>, transform_indices = @transform_5, window_bounds = array<i64: 128, 8>}, {pipeline_mode = #tpu.pipeline_mode<synchronous>, transform_indices = @transform_6, window_bounds = array<i64: 1, 8>}, {transform_indices = @transform_7, window_bounds = array<i64: 800, 8>}]} {
    %get3A = arith.constant 0 : index
    %get3A_0 = arith.constant 0 : index
    %get3A_1 = vector.load %arg1[%get3A, %get3A_0] : memref<800x128xf32, #tpu.memory_space<vmem>>, vector<800x128xf32>
    %get3A_2 = arith.constant 0 : index
    %get3A_3 = arith.constant 0 : index
    %get3A_4 = vector.load %arg3[%get3A_2, %get3A_3] : memref<128x128xf32, #tpu.memory_space<vmem>>, vector<128x128xf32>
    %dot_general3A = arith.constant dense<0.000000e+00> : vector<800x128xf32>
    %dot_general3A_5 = tpu.matmul %get3A_1, %get3A_4, %dot_general3A {dimension_numbers = #tpu.dot_dimension_numbers<[1], [0], [0], [1], [0, 0, 1, 1], [], []>, transpose_lhs_hint = false} : vector<800x128xf32>, vector<128x128xf32>, vector<800x128xf32> -> vector<800x128xf32>
    %get3A_6 = arith.constant 0 : index
    %get3A_7 = arith.constant 0 : index
    %get3A_8 = vector.load %arg2[%get3A_6, %get3A_7] : memref<800x128xf32, #tpu.memory_space<vmem>>, vector<800x128xf32>
    %get3A_9 = arith.constant 0 : index
    %get3A_10 = arith.constant 0 : index
    %get3A_11 = vector.load %arg4[%get3A_9, %get3A_10] : memref<128x128xf32, #tpu.memory_space<vmem>>, vector<128x128xf32>
    %dot_general3A_12 = arith.constant dense<0.000000e+00> : vector<800x128xf32>
    %dot_general3A_13 = tpu.matmul %get3A_8, %get3A_11, %dot_general3A_12 {dimension_numbers = #tpu.dot_dimension_numbers<[1], [0], [0], [1], [0, 0, 1, 1], [], []>, transpose_lhs_hint = false} : vector<800x128xf32>, vector<128x128xf32>, vector<800x128xf32> -> vector<800x128xf32>
    %add3A = arith.addf %dot_general3A_5, %dot_general3A_13 : vector<800x128xf32>
    %get3A_14 = arith.constant 0 : index
    %get3A_15 = arith.constant 0 : index
    %get3A_16 = vector.load %arg5[%get3A_14, %get3A_15] : memref<1x128xf32, #tpu.memory_space<vmem>>, vector<1x128xf32>
    %add3A_17 = vector.broadcast %get3A_16 : vector<1x128xf32> to vector<800x128xf32>
    %add3A_18 = arith.addf %add3A, %add3A_17 : vector<800x128xf32>
    %max3A = arith.constant 0.000000e+00 : f32
    %max3A_19 = vector.broadcast %max3A : f32 to vector<800x128xf32>
    %max3A_20 = arith.maximumf %add3A_18, %max3A_19 : vector<800x128xf32>
    %get3A_21 = arith.constant 0 : index
    %get3A_22 = arith.constant 0 : index
    %get3A_23 = vector.load %arg6[%get3A_21, %get3A_22] : memref<128x8xf32, #tpu.memory_space<vmem>>, vector<128x8xf32>
    %dot_general3A_24 = arith.constant dense<0.000000e+00> : vector<800x8xf32>
    %dot_general3A_25 = tpu.matmul %max3A_20, %get3A_23, %dot_general3A_24 {dimension_numbers = #tpu.dot_dimension_numbers<[1], [0], [0], [1], [0, 0, 1, 1], [], []>, transpose_lhs_hint = false} : vector<800x128xf32>, vector<128x8xf32>, vector<800x8xf32> -> vector<800x8xf32>
    %get3A_26 = arith.constant 0 : index
    %get3A_27 = arith.constant 0 : index
    %get3A_28 = vector.load %arg7[%get3A_26, %get3A_27] : memref<1x8xf32, #tpu.memory_space<vmem>>, vector<1x8xf32>
    %add3A_29 = vector.broadcast %get3A_28 : vector<1x8xf32> to vector<800x8xf32>
    %add3A_30 = arith.addf %dot_general3A_25, %add3A_29 : vector<800x8xf32>
    %swap3A = arith.constant 0 : index
    %swap3A_31 = arith.constant 0 : index
    %swap3A_32 = vector.load %arg8[%swap3A, %swap3A_31] : memref<800x8xf32, #tpu.memory_space<vmem>>, vector<800x8xf32>
    tpu.vector_store %arg8[%swap3A, %swap3A_31], %add3A_30 {strides = array<i32>} : memref<800x8xf32, #tpu.memory_space<vmem>>, vector<800x8xf32>,
    return
  }
  func.func @transform_0(%arg0: i32) -> (i32, i32) {
    %c0_i32 = arith.constant 0 : i32
    %c0_i32_0 = arith.constant 0 : i32
    return %arg0, %c0_i32 : i32, i32
  }
  func.func @transform_1(%arg0: i32) -> (i32, i32) {
    %add3A = arith.constant 16 : i32
    %add3A_0 = arith.addi %arg0, %add3A : i32
    %c0_i32 = arith.constant 0 : i32
    %c0_i32_1 = arith.constant 0 : i32
    return %add3A_0, %c0_i32 : i32, i32
  }
  func.func @transform_2(%arg0: i32) -> (i32, i32) {
    %c0_i32 = arith.constant 0 : i32
    %c0_i32_0 = arith.constant 0 : i32
    %c0_i32_1 = arith.constant 0 : i32
    return %c0_i32, %c0_i32_0 : i32, i32
  }
  func.func @transform_3(%arg0: i32) -> (i32, i32) {
    %c0_i32 = arith.constant 0 : i32
    %c0_i32_0 = arith.constant 0 : i32
    %c0_i32_1 = arith.constant 0 : i32
    return %c0_i32, %c0_i32_0 : i32, i32
  }
  func.func @transform_4(%arg0: i32) -> (i32, i32) {
    %c0_i32 = arith.constant 0 : i32
    %c0_i32_0 = arith.constant 0 : i32
    %c0_i32_1 = arith.constant 0 : i32
    return %c0_i32, %c0_i32_0 : i32, i32
  }
  func.func @transform_5(%arg0: i32) -> (i32, i32) {
    %c0_i32 = arith.constant 0 : i32
    %c0_i32_0 = arith.constant 0 : i32
    %c0_i32_1 = arith.constant 0 : i32
    return %c0_i32, %c0_i32_0 : i32, i32
  }
  func.func @transform_6(%arg0: i32) -> (i32, i32) {
    %c0_i32 = arith.constant 0 : i32
    %c0_i32_0 = arith.constant 0 : i32
    %c0_i32_1 = arith.constant 0 : i32
    return %c0_i32, %c0_i32_0 : i32, i32
  }
  func.func @transform_7(%arg0: i32) -> (i32, i32) {
    %c0_i32 = arith.constant 0 : i32
    %c0_i32_0 = arith.constant 0 : i32
    return %arg0, %c0_i32 : i32, i32
  }
}

</mosaic_0001>

<sc_bundles>
// kernel: kernel.14.cloned.1.call-start
scs
__scs_entry_jumppad:
0x0: {  	(pc) =	sbr.rel $0x88, $3  }
0x1: {  	(tag) =	ssettag $0x0;
	lr =	simm.s32 $0x1  }
0x2: {  	[smem:$0x3F93] =	sst lr;
	_ =	strace $0xD0000000  }
0x3: {  	_ = 	snop  }
0x4: {  	_ = 	snop  }
0x5: {  	_ = 	snop  }
0x6: {  	_ = 	snop  }
0x7: {  	_ = 	snop  }
__scs_overlays_trampoline_lowered:
0x8: {  	[smem:$0x3FA2] =	sst s0  }
0x9: {  	[smem:$0x3FA3] =	sst s1  }
0xa: {  	[smem:$0x3FA4] =	sst s2  }
0xb: {  	[smem:$0x3FA5] =	sst s3  }
0xc: {  	[smem:$0x3FA6] =	sst s4  }
0xd: {  	[smem:$0x3FA7] =	sst s5  }
0xe: {  	[smem:$0x3FA8] =	sst s6  }
0xf: {  	[smem:$0x3FA9] =	sst s7  }
0x10: {  	[smem:$0x3FAA] =	sst s8  }
0x11: {  	[smem:$0x3FAB] =	sst s9;
	s0 =	simm.s32 @!p0 $0x0  }
0x12: {  	s1 =	sld [smem:$0x3F91];
	s0 =	simm.s32 @p0 $0x1  }
0x13: {  	[smem:$0x3FAC] =	sst s0;
	s0 =	simm.s32 @!p1 $0x0  }
0x14: {  	s2 =	sld [smem:$0x3F90];
	s0 =	simm.s32 @p1 $0x1  }
0x15: {  	[smem:$0x3FAD] =	sst s0;
	s0 =	simm.s32 @!p2 $0x0  }
0x16: {  	s3 =	sld [smem:$0x3FDB];
	s0 =	simm.s32 @p2 $0x1  }
0x17: {  	s4 =	simm.s32 $0x1BF5;
	[smem:$0x3FAF] =	sst s0  }
0x18: {  	s0 =	sld [smem:$0x3F92];
	_ =	swait.ge [sflag:s4], $0x0  }
0x19: {  	s7 =	sld [smem:$0x3F93]  }
0x1a: {  	s8 =	sadd.s32 $0xFFFFE003, lr  }
0x1b: {  	s9 =	sadd.s32 $0xFFFFFEF7, lr;
	s5 =	simm.s32 $0xFFFFFFFF;
	p2 =	slt.u32 s8, $0xFFFFF086  }
0x1c: {  	p1 =	slt.u32 s9, $0xF7A;
	s5 =	simm.s32 @!p2 $0x0  }
0x1d: {  	s5 =	simm.s32 @p1 $0x1;
	p0 =	seq.s32 s7, s2  }
0x1e: {  	s7 =	smul.u32 @!p0 $0xF7A, s2;
	p2 =	seq.s32 @!p0 s5, $0x0  }
0x1f: {  	s9 =	smul.u32 $0xF7A, s1;
	s8 =	simm.s32 @!p0 $0x1BF5;
	p2 =	por !p2, p0  }
0x20: {  	[sflag:s8] =	ssyncset.s32 @!p0 $0xFFFFF086;
	s6 =	sadd.s32 @!p0 s3, s7;
	s7 =	simm.s32 @!p0 $0x108  }
0x21: {  	s3 =	sadd.s32 s3, s9;
	s6 =	sadd.s32 @!p0 $0x88, s6;
	s7 =	simm.s32 @p2 $0x1082  }
0x22: {  	[simem:s7], [sflag:s8] =	dma.local @!p0 [hbm:s6], $0xF7A  }
0x23: {  	s9 =	sor.u32 $0xD0000000, s2;
	s6 =	simm.s32 $0x108;
	_ =	swait.ge @!p0 [sflag:s8], $0x0  }
0x24: {  	s3 =	sadd.s32 $0x88, s3;
	s6 =	simm.s32 @!p1 $0x1082;
	[sflag:s4] =	ssyncset.s32 $0xFFFFF086  }
0x25: {  	[simem:s6], [sflag:s4] =	dma.local [hbm:s3], $0xF7A  }
0x26: {  	[smem:$0x3F93] =	sst s1;
	(tag) =	ssettag s2;
	_ =	strace s9  }
0x27: {  	s1 =	sld [smem:$0x3FA3]  }
0x28: {  	s2 =	sld [smem:$0x3FA4]  }
0x29: {  	s4 =	sld [smem:$0x3FA6]  }
0x2a: {  	p0 =	seq.s32 s5, $0x0;
	s5 =	sld [smem:$0x3FA7]  }
0x2b: {  	s6 =	sld [smem:$0x3FA8]  }
0x2c: {  	s7 =	sld [smem:$0x3FA9]  }
0x2d: {  	s3 =	simm.s32 $0x108;
	s8 =	sld [smem:$0x3FAA]  }
0x2e: {  	s3 =	simm.s32 @!p0 $0x1082;
	s9 =	sld [smem:$0x3FAB]  }
0x2f: {  	lr =	sadd.s32 s0, s3;
	s0 =	sld [smem:$0x3FA2]  }
0x30: {  	s3 =	sld [smem:$0x3FA5]  }
0x31: {  	[smem:$0x3FAE] =	sst s10  }
0x32: {  	s10 =	sld [smem:$0x3FAC];
	_ =	sdelay $0x3  }
0x33: {  	p0 =	seq.s32 s10, $0x1;
	s10 =	sld [smem:$0x3FAE];
	_ =	sdelay $0x3  }
0x34: {  	[smem:$0x3FAE] =	sst s10  }
0x35: {  	s10 =	sld [smem:$0x3FAD];
	_ =	sdelay $0x3  }
0x36: {  	p1 =	seq.s32 s10, $0x1;
	s10 =	sld [smem:$0x3FAE];
	_ =	sdelay $0x3  }
0x37: {  	[smem:$0x3FAE] =	sst s10  }
0x38: {  	s10 =	sld [smem:$0x3FAF]  }
0x39: {  	_ = 	snop;
	(pc) =	sbr.ind lr, $3  }
0x3a: {  	_ = 	snop  }
0x3b: {  	_ = 	snop  }
0x3c: {  	p2 =	seq.s32 s10, $0x1;
	s10 =	sld [smem:$0x3FAE]  }
0x3d: {  	_ =	shalt  }
0x3e: {  	_ =	shalt  }
0x3f: {  	_ =	shalt  }
0x40: {  	_ =	shalt  }
0x41: {  	_ =	shalt  }
0x42: {  	_ =	shalt  }
0x43: {  	_ =	shalt  }
0x44: {  	_ =	shalt  }
0x45: {  	_ =	shalt  }
0x46: {  	_ =	shalt  }
0x47: {  	_ =	shalt  }
0x48: {  	_ =	shalt  }
0x49: {  	_ =	shalt  }
0x4a: {  	_ =	shalt  }
0x4b: {  	_ =	shalt  }
0x4c: {  	_ =	shalt  }
0x4d: {  	_ =	shalt  }
0x4e: {  	_ =	shalt  }
0x4f: {  	_ =	shalt  }
0x50: {  	_ =	shalt  }
0x51: {  	_ =	shalt  }
0x52: {  	_ =	shalt  }
0x53: {  	_ =	shalt  }
0x54: {  	_ =	shalt  }
0x55: {  	_ =	shalt  }
0x56: {  	_ =	shalt  }
0x57: {  	_ =	shalt  }
0x58: {  	_ =	shalt  }
0x59: {  	_ =	shalt  }
0x5a: {  	_ =	shalt  }
0x5b: {  	_ =	shalt  }
0x5c: {  	_ =	shalt  }
0x5d: {  	_ =	shalt  }
0x5e: {  	_ =	shalt  }
0x5f: {  	_ =	shalt  }
0x60: {  	_ =	shalt  }
0x61: {  	_ =	shalt  }
0x62: {  	_ =	shalt  }
0x63: {  	_ =	shalt  }
0x64: {  	_ =	shalt  }
0x65: {  	_ =	shalt  }
0x66: {  	_ =	shalt  }
0x67: {  	_ =	shalt  }
0x68: {  	_ =	shalt  }
0x69: {  	_ =	shalt  }
0x6a: {  	_ =	shalt  }
0x6b: {  	_ =	shalt  }
0x6c: {  	_ =	shalt  }
0x6d: {  	_ =	shalt  }
0x6e: {  	_ =	shalt  }
0x6f: {  	_ =	shalt  }
0x70: {  	_ =	shalt  }
0x71: {  	_ =	shalt  }
0x72: {  	_ =	shalt  }
0x73: {  	_ =	shalt  }
0x74: {  	_ =	shalt  }
0x75: {  	_ =	shalt  }
0x76: {  	_ =	shalt  }
0x77: {  	_ =	shalt  }
0x78: {  	_ =	shalt  }
0x79: {  	_ =	shalt  }
0x7a: {  	_ =	shalt  }
0x7b: {  	_ =	shalt  }
0x7c: {  	_ =	shalt  }
0x7d: {  	_ =	shalt  }
0x7e: {  	_ =	shalt  }
0x7f: {  	_ =	shalt  }
0x80: {  	_ =	shalt  }
0x81: {  	_ =	shalt  }
0x82: {  	_ =	shalt  }
0x83: {  	_ =	shalt  }
0x84: {  	_ =	shalt  }
0x85: {  	_ =	shalt  }
0x86: {  	_ =	shalt  }
0x87: {  	_ =	shalt  }
.Lfunc_end0:
.L_simem_size_0:
called_computation_lowered:
.L_overlay_start_0:
0x88: {  	s2 =	sld [smem:$0x3FD9]  }
0x89: {  	s3 =	sld [smem:$0x3FFE];
	_ =	sdelay $0x1  }
0x8a: {  	s1 =	srdreg.scid  }
0x8b: {  	s0 =	sand.u32 $0x1, s1  }
0x8c: {  	s17 =	sshll.u32 s0, $0xA;
	s2 =	sadd.s32 s3, s2  }
0x8d: {  	s2 =	sadd.s32 s2, s17  }
0x8e: {  	[smem:$0x3FBA] =	sst s2  }
0x8f: {  	_ = 	snop  }
0x90: {  	s18 =	sld [smem:$0x3FD0];
	(tm) =	ssettm $0x1  }
0x91: {  	s19 =	sld [smem:$0x3FFB];
	_ =	sdelay $0x3  }
0x92: {  	_ =	strace s19  }
0x93: {  	s2 =	sld [smem:$0x3FFC];
	_ =	sdelay $0x3  }
0x94: {  	_ =	strace s2  }
0x95: {  	s2 =	sld [smem:$0x3FFD];
	_ =	sdelay $0x3  }
0x96: {  	_ =	strace s2  }
0x97: {  	_ =	strace $0x8FFFFFFF  }
0x98: {  	s20 =	sld [smem:$0x3FDB];
	_ =	sdelay $0x1  }
0x99: {  	s4 =	simm.s32 $_scs_section_size  }
0x9a: {  	s5 =	simm.s32 $_size__tile_overlayer_lowered;
	s6 =	simm.s32 $_tile_overlayer_lowered  }
0x9b: {  	s7 =	simm.s32 $0x1BFF;
	s21 =	sshll.u32 s6, $0x1;
	s4 =	sadd.s32 s4, s20  }
0x9c: {  	s22 =	simm.s32 $0x0;
	s5 =	sshll.u32 s5, $0x1;
	s6 =	sadd.s32 s21, s4  }
0x9d: {  	[timem:s22], [sflag:s7] =	dma.local [hbm:s6], s5  }
0x9e: {  	_ =	swait.ge [sflag:s7], s5  }
0x9f: {  	s5 =	ssub.s32 $0x0, s5;
	[sflag:s7] =	ssyncset.done $0x0  }
0xa0: {  	[sflag:s7] =	ssyncadd.s32 s5;
	_ =	sdelay $0x1  }
0xa1: {  	s23 =	simm.s32 $0x1B8B  }
0xa2: {  	_ =	swait.ge [sflag:s23], $0x1  }
0xa3: {  	[sflag:s23] =	ssyncset.done $0x0  }
0xa4: {  	[sflag:s23] =	ssyncadd.s32 $0xFFFFFFFF  }
0xa5: {  	s5 =	sld [smem:$0x0]  }
0xa6: {  	s6 =	sand.u32 $0xFFFFFFFE, s1  }
0xa7: {  	p0 =	sne.s32 s1, s6  }
0xa8: {  	s6 =	sshll.u32 @p0 s6, $0xE  }
0xa9: {  	s6 =	sadd.s32 @p0 $0x11B8D, s6;
	s7 =	sshll.u32 @p0 s5, $0x11  }
0xaa: {  	s6 =	sor.u32 @p0 s7, s6  }
0xab: {  	[sflag:s6] =	ssyncadd.remote.s32 @p0 $0x1;
	_ =	sdelay $0x1  }
0xac: {  	s6 =	simm.s32 @p0 $0x1B8D  }
0xad: {  	_ =	swait.eq @p0 [sflag:s6], $0x1  }
0xae: {  	[sflag:s6] =	ssyncadd.s32 @p0 $0xFFFFFFFF  }
0xaf: {  	s7 =	sshll.u32 @!p0 s1, $0xE  }
0xb0: {  	s7 =	sor.u32 @!p0 $0x4000, s7;
	s6 =	simm.s32 @!p0 $0x1B8D  }
0xb1: {  	s5 =	sshll.u32 @!p0 s5, $0x11;
	s7 =	sadd.s32 @!p0 $0x11B8D, s7;
	_ =	swait.eq @!p0 [sflag:s6], $0x1  }
0xb2: {  	s5 =	sor.u32 @!p0 s5, s7;
	[sflag:s6] =	ssyncadd.s32 @!p0 $0xFFFFFFFF  }
0xb3: {  	s25 =	simm.s32 $0x1B8E;
	s24 =	sld [smem:$0x3FFE];
	[sflag:s5] =	ssyncadd.remote.s32 @!p0 $0x1  }
0xb4: {  	s26 =	simm.s32 $execute0_lowered;
	[smem:$0x3FD2] =	sst s25  }
0xb5: {  	s6 =	sshll.u32 s26, $0x1;
	_ =	strace $0x80000049;
	[dreg:$0x1] =	wrdreg $0xFFFFFFFF  }
0xb6: {  	s28 =	simm.s32 $_size_execute0_lowered;
	s4 =	sadd.s32 s4, s6;
	[dreg:$0x0] =	wrdreg $0x0  }
0xb7: {  	s6 =	sshll.u32 s28, $0x1;
	[dreg:$0x2] =	wrdreg s4  }
0xb8: {  	[dreg:$0x3] =	wrdreg s6  }
0xb9: {  	[dreg:$0x4] =	wrdreg $0xC0  }
0xba: {  	_ =	task [dreg:s22], $0x5FFFF  }
0xbb: {  	[dreg:$0x1] =	wrdreg $0xFFFFFFFF  }
0xbc: {  	[dreg:$0x0] =	wrdreg $0x60  }
0xbd: {  	[dreg:$0x2] =	wrdreg s18  }
0xbe: {  	[dreg:$0x3] =	wrdreg s24  }
0xbf: {  	[dreg:$0x4] =	wrdreg $0x14C080  }
0xc0: {  	[dreg:$0x5] =	wrdreg $0x9  }
0xc1: {  	_ =	task.clear_ibuf [dreg:s22], $0x6FFFF;
	_ =	strace $0x90000049  }
0xc2: {  	s29 =	simm.s32 $0x9;
	_ =	strace $0x8000004B  }
0xc3: {  	_ =	swait.ge [sflag:s29], $0x1  }
0xc4: {  	[sflag:s29] =	ssyncadd.s32 $0xFFFFFFFF  }
0xc5: {  	_ =	strace $0x9000004B  }
0xc6: {  	_ =	sfence  }
0xc7: {  	s30 =	sld [smem:$0x0];
	_ =	sdelay $0x2  }
0xc8: {  	s31 =	sshll.u32 s1, $0xD;
	s1 =	sshrl.u32 s1, $0x2  }
0xc9: {  	s4 =	sand.u32 $0x4000, s31;
	s1 =	sadd.s32 s1, s30  }
0xca: {  	s0 =	sor.u32 s4, s0;
	s1 =	sshll.u32 s1, $0x11  }
0xcb: {  	s0 =	sor.u32 s1, s0  }
0xcc: {  	s0 =	sadd.s32 $0x8F2B, s0  }
0xcd: {  	[sflag:s0] =	ssyncadd.remote.s32 $0x1  }
0xce: {  	_ =	sfence.sel $0xFFFF  }
0xcf: {  	[dreg:$0x0] =	wrdreg $0xFFFFFFFF;
	(pc) =	sbr.abs _section_cstart, $3  }
0xd0: {  	[dreg:$0x1] =	wrdreg $0xFFFFFFFF  }
0xd1: {  	_ =	task.clear_ibuf [dreg:s22], $0x2FFFF;
	_ =	strace $0x9FFFFFFF  }
0xd2: {  	(tm) =	ssettm $0x7FFFFFFF  }
0xd3: {  	_ =	shalt  }
tec
execute0_lowered:
.L_overlay_start_1:
0x0: {  	(tag) =	ssettag $0x1  }
0x1: {  	s1 =	srdreg.scid;
	s0 =	stileid.u32  }
0x2: {  	s2 =	rddreg [dreg:$0x0];
	s11 =	sand.u32 $0x1, s1;
	s26 =	sshll.u32 s0, $0x1  }
0x3: {  	s12 =	rddreg [dreg:$0x1];
	s1 =	sor.u32 s11, s26  }
0x4: {  	s3 =	rddreg [dreg:$0x2];
	s4 =	simm.s32 $0x0;
	s5 =	smul.u32 $0x271, s1  }
0x5: {  	[smem:$0x7FF] =	sst s4  }
0x6: {  	s1 =	rddreg [dreg:$0x3];
	s5 =	sadd.s32 s5, s12  }
0x7: {  	_ =	strace $0x8000004A;
	s6 =	sadd.s32 $0xE000, s5;
	s5 =	simm.s32 $0x1  }
0x8: {  	[tilespmem:s4], [sflag:$0x1] =	stream.linear.gather [hbm4b:s6+s4], $0x1388, $0x38;
	[tilespmem:$0x17318] =	vst v63  }
0x9: {  	_ =	swait.ge [sflag:s5], $0x1388  }
0xa: {  	s7 =	simm.s32 $0x1388;
	[sflag:s5] =	ssyncset.done $0x0  }
0xb: {  	s8 =	smul.u32 $0x2710, s0;
	s28 =	sshll.u32 s0, $0x6;
	[sflag:s5] =	ssyncadd.s32 $0xFFFFEC78  }
0xc: {  	[tilespmem:s7], [sflag:$0x1] =	stream.linear.gather [hbm4b:s2+s4], $0x13880, $0x38;
	[tilespmem:$0x17318] =	vst v63  }
0xd: {  	s9 =	sshrl.u32 s8, $0x3;
	s10 =	sadd.s32 s8, s3;
	_ =	swait.ge [sflag:s5], $0x13880  }
0xe: {  	s9 =	sadd.s32 s9, s12;
	s10 =	sshrl.u32 s10, $0x3;
	[sflag:s5] =	ssyncset.done $0x0  }
0xf: {  	s8 =	sadd.s32 $0x61200, s9;
	s9 =	sor.u32 $0x1C01, s28;
	[sflag:s5] =	ssyncadd.s32 $0xFFFEC780  }
0x10: {  	[spmem:s10], [sflag:s9] =	dma.local [hbm:s8], $0x4E2  }
0x11: {  	_ =	swait.ge [sflag:s5], $0x4E2  }
0x12: {  	s13 =	smul.u32 $0x4E20, s11;
	s11 =	ssub.s32 $0x2, s11;
	[sflag:s5] =	ssyncset.done $0x0  }
0x13: {  	s29 =	sshrl.u32 s11, $0x1;
	[sflag:s5] =	ssyncadd.s32 $0xFFFFFB1E  }
0x14: {  	s14 =	smul.u32 $0x4E2, s0;
	s30 =	ssub.s32 s11, s29;
	[bflag:$0x0] =	sbarrier.arrive $0xFFFF  }
0x15: {  	[spmem:s3] =	stream.indirect.scatter.add.f32 [tilespmem:s7], [sflag:$0x1], $0x10, s4, s7, $0xb8;
	[tilespmem:$0x17318] =	vst v63  }
0x16: {  	s31 =	smax.u32 s30, $0x1;
	_ =	swait.ge [sflag:s5], $0x13880  }
0x17: {  	s13 =	sadd.s32 s14, s13;
	p0 =	sne.s32 s31, $0x1;
	[sflag:s5] =	ssyncset.done $0x0  }
.Ltmp0:
0x18: {  	s12 =	sadd.s32 s13, s12;
	[sflag:s5] =	ssyncadd.s32 $0xFFFEC780;
	(pc) =	sbr.rel @!p0 .LBB2_2-.Ltmp0, $4  }
0x19: {  	s11 =	sadd.s32 $0x66200, s12;
	[bflag:$0x0] =	sbarrier.arrive $0xFFFF  }
0x1a: {  	[hbm:s11], [sflag:s9] =	dma.local [spmem:s10], $0x4E2  }
0x1b: {  	_ =	swait.ge [sflag:s5], $0x4E2  }
0x1c: {  	s12 =	sadd.s32 $0xFFFFFFFF, s31;
	[sflag:s5] =	ssyncset.done $0x0  }
.LBB2_1:
0x1d: {  	p0 =	sne.s32 s12, $0x1;
	s12 =	sadd.s32 $0xFFFFFFFF, s12;
	[sflag:s5] =	ssyncadd.s32 $0xFFFFFB1E  }
0x1e: {  	[tilespmem:s4], [sflag:$0x1] =	stream.linear.gather [hbm4b:s6+s4], $0x1388, $0x38;
	[tilespmem:$0x17318] =	vst v63  }
0x1f: {  	_ =	swait.ge [sflag:s5], $0x1388  }
0x20: {  	[sflag:s5] =	ssyncset.done $0x0  }
0x21: {  	[sflag:s5] =	ssyncadd.s32 $0xFFFFEC78  }
0x22: {  	[tilespmem:s7], [sflag:$0x1] =	stream.linear.gather [hbm4b:s2+s4], $0x13880, $0x38;
	[tilespmem:$0x17318] =	vst v63  }
0x23: {  	_ =	swait.ge [sflag:s5], $0x13880  }
0x24: {  	[sflag:s5] =	ssyncset.done $0x0  }
0x25: {  	[sflag:s5] =	ssyncadd.s32 $0xFFFEC780  }
0x26: {  	[spmem:s10], [sflag:s9] =	dma.local [hbm:s8], $0x4E2  }
0x27: {  	_ =	swait.ge [sflag:s5], $0x4E2  }
0x28: {  	[sflag:s5] =	ssyncset.done $0x0  }
0x29: {  	[sflag:s5] =	ssyncadd.s32 $0xFFFFFB1E  }
0x2a: {  	[bflag:$0x0] =	sbarrier.arrive $0xFFFF  }
0x2b: {  	[spmem:s3] =	stream.indirect.scatter.add.f32 [tilespmem:s7], [sflag:$0x1], $0x10, s4, s7, $0xb8;
	[tilespmem:$0x17318] =	vst v63  }
0x2c: {  	_ =	swait.ge [sflag:s5], $0x13880  }
0x2d: {  	[sflag:s5] =	ssyncset.done $0x0  }
.Ltmp1:
0x2e: {  	[sflag:s5] =	ssyncadd.s32 $0xFFFEC780;
	(pc) =	sbr.rel @p0 .LBB2_1-.Ltmp1, $4  }
0x2f: {  	[bflag:$0x0] =	sbarrier.arrive $0xFFFF  }
0x30: {  	[hbm:s11], [sflag:s9] =	dma.local [spmem:s10], $0x4E2  }
0x31: {  	_ =	swait.ge [sflag:s5], $0x4E2  }
0x32: {  	[sflag:s5] =	ssyncset.done $0x0  }
.LBB2_2:
0x33: {  	[sflag:s5] =	ssyncadd.s32 $0xFFFFFB1E  }
0x34: {  	_ =	sfence.sel $0x180000  }
0x35: {  	[bflag:$0x0] =	sbarrier.arrive $0xFFFF  }
0x36: {  	p0 =	sne.s32 s0, $0x0;
	_ =	strace $0x9000004A  }
0x37: {  	s0 =	sadd.s32 @!p0 $0x100000, s1;
	[bflag:$0x2] =	sbarrier.arrive $0xFFFF  }
0x38: {  	[sflag:s0] =	ssyncadd.tile.s32 @!p0 $0x1;
	_ =	shalt  }
.Lfunc_end2:
_tile_overlayer_lowered:
.L_overlay_start_2:
0x39: {  	(tag) =	ssettag $0x2  }
0x3a: {  	s0 =	rddreg [dreg:$0x0];
	s2 =	stileid.u32  }
0x3b: {  	s1 =	rddreg [dreg:$0x1];
	p0 =	sne.s32 s2, $0x0  }
0x3c: {  	s3 =	rddreg [dreg:$0x2];
	[bflag:$0x3] =	sbarrier.arrive $0xFFFF;
	s2 =	simm.s32 @!p0 $0x1C01  }
0x3d: {  	[timem:s3], [sflag:s2] =	dma.local @!p0 [hbm:s0], s1  }
0x3e: {  	s0 =	simm.s32 @!p0 $0x1  }
0x3f: {  	_ =	swait.ge @!p0 [sflag:s0], s1  }
0x40: {  	s1 =	ssub.s32 @!p0 $0x0, s1;
	[sflag:s0] =	ssyncset.done @!p0 $0x0  }
0x41: {  	[sflag:s0] =	ssyncadd.s32 @!p0 s1  }
0x42: {  	[bflag:$0x3] =	sbarrier.arrive $0xFFFF  }
0x43: {  	_ =	shalt  }

// kernel: kernel.17.cloned.1.call-start
scs
__scs_entry_jumppad:
0x0: {  	(pc) =	sbr.rel $0x88, $3  }
0x1: {  	(tag) =	ssettag $0x0;
	lr =	simm.s32 $0x1  }
0x2: {  	[smem:$0x3F93] =	sst lr;
	_ =	strace $0xD0000000  }
0x3: {  	_ = 	snop  }
0x4: {  	_ = 	snop  }
0x5: {  	_ = 	snop  }
0x6: {  	_ = 	snop  }
0x7: {  	_ = 	snop  }
__scs_overlays_trampoline_lowered:
0x8: {  	[smem:$0x3FA2] =	sst s0  }
0x9: {  	[smem:$0x3FA3] =	sst s1  }
0xa: {  	[smem:$0x3FA4] =	sst s2  }
0xb: {  	[smem:$0x3FA5] =	sst s3  }
0xc: {  	[smem:$0x3FA6] =	sst s4  }
0xd: {  	[smem:$0x3FA7] =	sst s5  }
0xe: {  	[smem:$0x3FA8] =	sst s6  }
0xf: {  	[smem:$0x3FA9] =	sst s7  }
0x10: {  	[smem:$0x3FAA] =	sst s8  }
0x11: {  	[smem:$0x3FAB] =	sst s9;
	s0 =	simm.s32 @!p0 $0x0  }
0x12: {  	s1 =	sld [smem:$0x3F91];
	s0 =	simm.s32 @p0 $0x1  }
0x13: {  	[smem:$0x3FAC] =	sst s0;
	s0 =	simm.s32 @!p1 $0x0  }
0x14: {  	s2 =	sld [smem:$0x3F90];
	s0 =	simm.s32 @p1 $0x1  }
0x15: {  	[smem:$0x3FAD] =	sst s0;
	s0 =	simm.s32 @!p2 $0x0  }
0x16: {  	s3 =	sld [smem:$0x3FDB];
	s0 =	simm.s32 @p2 $0x1  }
0x17: {  	s4 =	simm.s32 $0x1BF5;
	[smem:$0x3FAF] =	sst s0  }
0x18: {  	s0 =	sld [smem:$0x3F92];
	_ =	swait.ge [sflag:s4], $0x0  }
0x19: {  	s7 =	sld [smem:$0x3F93]  }
0x1a: {  	s8 =	sadd.s32 $0xFFFFE003, lr  }
0x1b: {  	s9 =	sadd.s32 $0xFFFFFEF7, lr;
	s5 =	simm.s32 $0xFFFFFFFF;
	p2 =	slt.u32 s8, $0xFFFFF086  }
0x1c: {  	p1 =	slt.u32 s9, $0xF7A;
	s5 =	simm.s32 @!p2 $0x0  }
0x1d: {  	s5 =	simm.s32 @p1 $0x1;
	p0 =	seq.s32 s7, s2  }
0x1e: {  	s7 =	smul.u32 @!p0 $0xF7A, s2;
	p2 =	seq.s32 @!p0 s5, $0x0  }
0x1f: {  	s9 =	smul.u32 $0xF7A, s1;
	s8 =	simm.s32 @!p0 $0x1BF5;
	p2 =	por !p2, p0  }
0x20: {  	[sflag:s8] =	ssyncset.s32 @!p0 $0xFFFFF086;
	s6 =	sadd.s32 @!p0 s3, s7;
	s7 =	simm.s32 @!p0 $0x108  }
0x21: {  	s3 =	sadd.s32 s3, s9;
	s6 =	sadd.s32 @!p0 $0x88, s6;
	s7 =	simm.s32 @p2 $0x1082  }
0x22: {  	[simem:s7], [sflag:s8] =	dma.local @!p0 [hbm:s6], $0xF7A  }
0x23: {  	s9 =	sor.u32 $0xD0000000, s2;
	s6 =	simm.s32 $0x108;
	_ =	swait.ge @!p0 [sflag:s8], $0x0  }
0x24: {  	s3 =	sadd.s32 $0x88, s3;
	s6 =	simm.s32 @!p1 $0x1082;
	[sflag:s4] =	ssyncset.s32 $0xFFFFF086  }
0x25: {  	[simem:s6], [sflag:s4] =	dma.local [hbm:s3], $0xF7A  }
0x26: {  	[smem:$0x3F93] =	sst s1;
	(tag) =	ssettag s2;
	_ =	strace s9  }
0x27: {  	s1 =	sld [smem:$0x3FA3]  }
0x28: {  	s2 =	sld [smem:$0x3FA4]  }
0x29: {  	s4 =	sld [smem:$0x3FA6]  }
0x2a: {  	p0 =	seq.s32 s5, $0x0;
	s5 =	sld [smem:$0x3FA7]  }
0x2b: {  	s6 =	sld [smem:$0x3FA8]  }
0x2c: {  	s7 =	sld [smem:$0x3FA9]  }
0x2d: {  	s3 =	simm.s32 $0x108;
	s8 =	sld [smem:$0x3FAA]  }
0x2e: {  	s3 =	simm.s32 @!p0 $0x1082;
	s9 =	sld [smem:$0x3FAB]  }
0x2f: {  	lr =	sadd.s32 s0, s3;
	s0 =	sld [smem:$0x3FA2]  }
0x30: {  	s3 =	sld [smem:$0x3FA5]  }
0x31: {  	[smem:$0x3FAE] =	sst s10  }
0x32: {  	s10 =	sld [smem:$0x3FAC];
	_ =	sdelay $0x3  }
0x33: {  	p0 =	seq.s32 s10, $0x1;
	s10 =	sld [smem:$0x3FAE];
	_ =	sdelay $0x3  }
0x34: {  	[smem:$0x3FAE] =	sst s10  }
0x35: {  	s10 =	sld [smem:$0x3FAD];
	_ =	sdelay $0x3  }
0x36: {  	p1 =	seq.s32 s10, $0x1;
	s10 =	sld [smem:$0x3FAE];
	_ =	sdelay $0x3  }
0x37: {  	[smem:$0x3FAE] =	sst s10  }
0x38: {  	s10 =	sld [smem:$0x3FAF]  }
0x39: {  	_ = 	snop;
	(pc) =	sbr.ind lr, $3  }
0x3a: {  	_ = 	snop  }
0x3b: {  	_ = 	snop  }
0x3c: {  	p2 =	seq.s32 s10, $0x1;
	s10 =	sld [smem:$0x3FAE]  }
0x3d: {  	_ =	shalt  }
0x3e: {  	_ =	shalt  }
0x3f: {  	_ =	shalt  }
0x40: {  	_ =	shalt  }
0x41: {  	_ =	shalt  }
0x42: {  	_ =	shalt  }
0x43: {  	_ =	shalt  }
0x44: {  	_ =	shalt  }
0x45: {  	_ =	shalt  }
0x46: {  	_ =	shalt  }
0x47: {  	_ =	shalt  }
0x48: {  	_ =	shalt  }
0x49: {  	_ =	shalt  }
0x4a: {  	_ =	shalt  }
0x4b: {  	_ =	shalt  }
0x4c: {  	_ =	shalt  }
0x4d: {  	_ =	shalt  }
0x4e: {  	_ =	shalt  }
0x4f: {  	_ =	shalt  }
0x50: {  	_ =	shalt  }
0x51: {  	_ =	shalt  }
0x52: {  	_ =	shalt  }
0x53: {  	_ =	shalt  }
0x54: {  	_ =	shalt  }
0x55: {  	_ =	shalt  }
0x56: {  	_ =	shalt  }
0x57: {  	_ =	shalt  }
0x58: {  	_ =	shalt  }
0x59: {  	_ =	shalt  }
0x5a: {  	_ =	shalt  }
0x5b: {  	_ =	shalt  }
0x5c: {  	_ =	shalt  }
0x5d: {  	_ =	shalt  }
0x5e: {  	_ =	shalt  }
0x5f: {  	_ =	shalt  }
0x60: {  	_ =	shalt  }
0x61: {  	_ =	shalt  }
0x62: {  	_ =	shalt  }
0x63: {  	_ =	shalt  }
0x64: {  	_ =	shalt  }
0x65: {  	_ =	shalt  }
0x66: {  	_ =	shalt  }
0x67: {  	_ =	shalt  }
0x68: {  	_ =	shalt  }
0x69: {  	_ =	shalt  }
0x6a: {  	_ =	shalt  }
0x6b: {  	_ =	shalt  }
0x6c: {  	_ =	shalt  }
0x6d: {  	_ =	shalt  }
0x6e: {  	_ =	shalt  }
0x6f: {  	_ =	shalt  }
0x70: {  	_ =	shalt  }
0x71: {  	_ =	shalt  }
0x72: {  	_ =	shalt  }
0x73: {  	_ =	shalt  }
0x74: {  	_ =	shalt  }
0x75: {  	_ =	shalt  }
0x76: {  	_ =	shalt  }
0x77: {  	_ =	shalt  }
0x78: {  	_ =	shalt  }
0x79: {  	_ =	shalt  }
0x7a: {  	_ =	shalt  }
0x7b: {  	_ =	shalt  }
0x7c: {  	_ =	shalt  }
0x7d: {  	_ =	shalt  }
0x7e: {  	_ =	shalt  }
0x7f: {  	_ =	shalt  }
0x80: {  	_ =	shalt  }
0x81: {  	_ =	shalt  }
0x82: {  	_ =	shalt  }
0x83: {  	_ =	shalt  }
0x84: {  	_ =	shalt  }
0x85: {  	_ =	shalt  }
0x86: {  	_ =	shalt  }
0x87: {  	_ =	shalt  }
.Lfunc_end0:
.L_simem_size_0:
called_computation.1_lowered:
.L_overlay_start_0:
0x88: {  	s2 =	sld [smem:$0x3FD9]  }
0x89: {  	s3 =	sld [smem:$0x3FFE];
	_ =	sdelay $0x1  }
0x8a: {  	s1 =	srdreg.scid  }
0x8b: {  	s0 =	sand.u32 $0x1, s1  }
0x8c: {  	s16 =	sshll.u32 s0, $0xA;
	s2 =	sadd.s32 s3, s2  }
0x8d: {  	s2 =	sadd.s32 s2, s16  }
0x8e: {  	[smem:$0x3FBA] =	sst s2  }
0x8f: {  	_ = 	snop  }
0x90: {  	(tm) =	ssettm $0x1  }
0x91: {  	s17 =	sld [smem:$0x3FFB];
	_ =	sdelay $0x3  }
0x92: {  	_ =	strace s17  }
0x93: {  	s2 =	sld [smem:$0x3FFC];
	_ =	sdelay $0x3  }
0x94: {  	_ =	strace s2  }
0x95: {  	s2 =	sld [smem:$0x3FFD];
	_ =	sdelay $0x3  }
0x96: {  	_ =	strace s2  }
0x97: {  	_ =	strace $0x8FFFFFFF  }
0x98: {  	s18 =	sld [smem:$0x3FDB];
	_ =	sdelay $0x1  }
0x99: {  	s19 =	simm.s32 $_scs_section_size  }
0x9a: {  	s4 =	simm.s32 $_size__tile_overlayer_lowered;
	s5 =	simm.s32 $_tile_overlayer_lowered  }
0x9b: {  	s22 =	simm.s32 $0x1BFF;
	s21 =	sshll.u32 s5, $0x1;
	s2 =	sadd.s32 s19, s18  }
0x9c: {  	s6 =	simm.s32 $0x0;
	s20 =	sshll.u32 s4, $0x1;
	s4 =	sadd.s32 s21, s2  }
0x9d: {  	[timem:s6], [sflag:s22] =	dma.local [hbm:s4], s20  }
0x9e: {  	_ =	swait.ge [sflag:s22], s20  }
0x9f: {  	s3 =	ssub.s32 $0x0, s20;
	[sflag:s22] =	ssyncset.done $0x0  }
0xa0: {  	[sflag:s22] =	ssyncadd.s32 s3;
	_ =	sdelay $0x1  }
0xa1: {  	s23 =	simm.s32 $0x1B8B  }
0xa2: {  	_ =	swait.ge [sflag:s23], $0x1  }
0xa3: {  	[sflag:s23] =	ssyncset.done $0x0  }
0xa4: {  	s25 =	simm.s32 $0x1B8E;
	s24 =	sld [smem:$0x3FFE];
	[sflag:s23] =	ssyncadd.s32 $0xFFFFFFFF  }
0xa5: {  	s26 =	simm.s32 $execute0_lowered;
	[smem:$0x3FD2] =	sst s25  }
0xa6: {  	s4 =	sshll.u32 s26, $0x1;
	_ =	strace $0x80000046;
	[dreg:$0x1] =	wrdreg $0xFFFFFFFF  }
0xa7: {  	s28 =	simm.s32 $_size_execute0_lowered;
	s2 =	sadd.s32 s2, s4;
	[dreg:$0x0] =	wrdreg $0x0  }
0xa8: {  	s4 =	sshll.u32 s28, $0x1;
	[dreg:$0x2] =	wrdreg s2  }
0xa9: {  	[dreg:$0x3] =	wrdreg s4  }
0xaa: {  	[dreg:$0x4] =	wrdreg $0xC0  }
0xab: {  	_ =	task [dreg:s6], $0x5FFFF  }
0xac: {  	[dreg:$0x1] =	wrdreg $0xFFFFFFFF  }
0xad: {  	[dreg:$0x0] =	wrdreg $0x60  }
0xae: {  	[dreg:$0x2] =	wrdreg s24  }
0xaf: {  	[dreg:$0x3] =	wrdreg $0xA  }
0xb0: {  	_ =	task.clear_ibuf [dreg:s6], $0x4FFFF;
	_ =	strace $0x90000046  }
0xb1: {  	s29 =	simm.s32 $0xA;
	_ =	strace $0x80000048  }
0xb2: {  	_ =	swait.ge [sflag:s29], $0x1  }
0xb3: {  	[sflag:s29] =	ssyncadd.s32 $0xFFFFFFFF  }
0xb4: {  	_ =	strace $0x90000048  }
0xb5: {  	_ =	sfence  }
0xb6: {  	s30 =	sld [smem:$0x0];
	_ =	sdelay $0x2  }
0xb7: {  	s31 =	sshll.u32 s1, $0xD;
	s1 =	sshrl.u32 s1, $0x2  }
0xb8: {  	s3 =	sand.u32 $0x4000, s31;
	s1 =	sadd.s32 s1, s30  }
0xb9: {  	s0 =	sor.u32 s3, s0;
	s1 =	sshll.u32 s1, $0x11  }
0xba: {  	s0 =	sor.u32 s1, s0  }
0xbb: {  	s0 =	sadd.s32 $0x8F2B, s0  }
0xbc: {  	[sflag:s0] =	ssyncadd.remote.s32 $0x1  }
0xbd: {  	_ =	sfence.sel $0xFFFF  }
0xbe: {  	[dreg:$0x0] =	wrdreg $0xFFFFFFFF;
	(pc) =	sbr.abs _section_cstart, $3  }
0xbf: {  	[dreg:$0x1] =	wrdreg $0xFFFFFFFF  }
0xc0: {  	_ =	task.clear_ibuf [dreg:s6], $0x2FFFF;
	_ =	strace $0x9FFFFFFF  }
0xc1: {  	(tm) =	ssettm $0x7FFFFFFF  }
tec
execute0_lowered:
.L_overlay_start_1:
0x0: {  	(tag) =	ssettag $0x1  }
0x1: {  	s1 =	srdreg.scid;
	s0 =	stileid.u32  }
0x2: {  	s6 =	sand.u32 $0x1, s1;
	s30 =	sshll.u32 s0, $0x1  }
0x3: {  	s8 =	rddreg [dreg:$0x0];
	s7 =	sor.u32 s6, s30  }
0x4: {  	s2 =	simm.s32 $0x0;
	s1 =	rddreg [dreg:$0x1];
	s3 =	smul.u32 $0x271, s7  }
0x5: {  	[smem:$0x7FF] =	sst s2;
	s5 =	sadd.s32 $0x4000, s8  }
0x6: {  	_ =	strace $0x80000047;
	s10 =	ssub.s32 $0x2, s6;
	s3 =	sadd.s32 s3, s8  }
0x7: {  	s6 =	simm.s32 $0x1388;
	s4 =	sadd.s32 $0x9000, s3;
	s3 =	simm.s32 $0x2  }
0x8: {  	[tilespmem:s2], [sflag:$0x2] =	stream.linear.gather [hbm4b:s4+s2], $0x1388, $0x38;
	[tilespmem:$0x14C08] =	vst v63  }
0x9: {  	s9 =	smul.u32 $0x2710, s7;
	s11 =	sshrl.u32 s10, $0x1;
	_ =	swait.ge [sflag:s3], $0x1388  }
0xa: {  	s7 =	simm.s32 $0x1;
	s31 =	ssub.s32 s10, s11;
	[sflag:s3] =	ssyncset.done $0x0  }
0xb: {  	s8 =	sadd.s32 s9, s8;
	s9 =	smax.u32 s31, $0x1;
	[sflag:s3] =	ssyncadd.s32 $0xFFFFEC78  }
0xc: {  	[tilespmem:s6], [sflag:$0x1] =	stream.indirect.gather [hbm4b:s5+s6], $0x10, s2, s6, $0xb8;
	[tilespmem:$0x14C08] =	vst v63  }
0xd: {  	p0 =	sne.s32 s9, $0x1;
	_ =	swait.ge [sflag:s7], $0x13880  }
.Ltmp0:
0xe: {  	[sflag:s7] =	ssyncset.done $0x0;
	(pc) =	sbr.rel @!p0 .LBB2_2-.Ltmp0, $4  }
0xf: {  	s8 =	sadd.s32 $0x13000, s8;
	[sflag:s7] =	ssyncadd.s32 $0xFFFEC780  }
0x10: {  	[hbm4b:s8+s2] =	stream.linear.scatter [tilespmem:s6], [sflag:$0x2], $0x13880, $0x38;
	[tilespmem:$0x14C08] =	vst v63  }
0x11: {  	_ =	swait.ge [sflag:s3], $0x13880  }
0x12: {  	s9 =	sadd.s32 $0xFFFFFFFF, s9;
	[sflag:s3] =	ssyncset.done $0x0  }
.LBB2_1:
0x13: {  	p0 =	sne.s32 s9, $0x1;
	s9 =	sadd.s32 $0xFFFFFFFF, s9;
	[sflag:s3] =	ssyncadd.s32 $0xFFFEC780  }
0x14: {  	[tilespmem:s2], [sflag:$0x2] =	stream.linear.gather [hbm4b:s4+s2], $0x1388, $0x38;
	[tilespmem:$0x14C08] =	vst v63  }
0x15: {  	_ =	swait.ge [sflag:s3], $0x1388  }
0x16: {  	[sflag:s3] =	ssyncset.done $0x0  }
0x17: {  	[sflag:s3] =	ssyncadd.s32 $0xFFFFEC78  }
0x18: {  	[tilespmem:s6], [sflag:$0x1] =	stream.indirect.gather [hbm4b:s5+s6], $0x10, s2, s6, $0xb8;
	[tilespmem:$0x14C08] =	vst v63  }
0x19: {  	_ =	swait.ge [sflag:s7], $0x13880  }
.Ltmp1:
0x1a: {  	[sflag:s7] =	ssyncset.done $0x0;
	(pc) =	sbr.rel @p0 .LBB2_1-.Ltmp1, $4  }
0x1b: {  	[sflag:s7] =	ssyncadd.s32 $0xFFFEC780  }
0x1c: {  	[hbm4b:s8+s2] =	stream.linear.scatter [tilespmem:s6], [sflag:$0x2], $0x13880, $0x38;
	[tilespmem:$0x14C08] =	vst v63  }
0x1d: {  	_ =	swait.ge [sflag:s3], $0x13880  }
0x1e: {  	[sflag:s3] =	ssyncset.done $0x0  }
.LBB2_2:
0x1f: {  	[sflag:s3] =	ssyncadd.s32 $0xFFFEC780  }
0x20: {  	_ =	sfence.sel $0x180000  }
0x21: {  	[bflag:$0x0] =	sbarrier.arrive $0xFFFF  }
0x22: {  	p0 =	sne.s32 s0, $0x0;
	_ =	strace $0x90000047  }
0x23: {  	s0 =	sadd.s32 @!p0 $0x100000, s1;
	[bflag:$0x2] =	sbarrier.arrive $0xFFFF  }
0x24: {  	[sflag:s0] =	ssyncadd.tile.s32 @!p0 $0x1;
	_ =	shalt  }
.Lfunc_end2:
_tile_overlayer_lowered:
.L_overlay_start_2:
0x25: {  	(tag) =	ssettag $0x2  }
0x26: {  	s0 =	rddreg [dreg:$0x0];
	s2 =	stileid.u32  }
0x27: {  	s1 =	rddreg [dreg:$0x1];
	p0 =	sne.s32 s2, $0x0  }
0x28: {  	s3 =	rddreg [dreg:$0x2];
	[bflag:$0x3] =	sbarrier.arrive $0xFFFF;
	s2 =	simm.s32 @!p0 $0x1C02  }
0x29: {  	[timem:s3], [sflag:s2] =	dma.local @!p0 [hbm:s0], s1  }
0x2a: {  	s0 =	simm.s32 @!p0 $0x2  }
0x2b: {  	_ =	swait.ge @!p0 [sflag:s0], s1  }
0x2c: {  	s1 =	ssub.s32 @!p0 $0x0, s1;
	[sflag:s0] =	ssyncset.done @!p0 $0x0  }
0x2d: {  	[sflag:s0] =	ssyncadd.s32 @!p0 s1  }
0x2e: {  	[bflag:$0x3] =	sbarrier.arrive $0xFFFF  }
0x2f: {  	_ =	shalt  }

// kernel: kernel.20.cloned.1.call-start
scs
__scs_entry_jumppad:
0x0: {  	(pc) =	sbr.rel $0x88, $3  }
0x1: {  	(tag) =	ssettag $0x0;
	lr =	simm.s32 $0x1  }
0x2: {  	[smem:$0x3F93] =	sst lr;
	_ =	strace $0xD0000000  }
0x3: {  	_ = 	snop  }
0x4: {  	_ = 	snop  }
0x5: {  	_ = 	snop  }
0x6: {  	_ = 	snop  }
0x7: {  	_ = 	snop  }
__scs_overlays_trampoline_lowered:
0x8: {  	[smem:$0x3FA2] =	sst s0  }
0x9: {  	[smem:$0x3FA3] =	sst s1  }
0xa: {  	[smem:$0x3FA4] =	sst s2  }
0xb: {  	[smem:$0x3FA5] =	sst s3  }
0xc: {  	[smem:$0x3FA6] =	sst s4  }
0xd: {  	[smem:$0x3FA7] =	sst s5  }
0xe: {  	[smem:$0x3FA8] =	sst s6  }
0xf: {  	[smem:$0x3FA9] =	sst s7  }
0x10: {  	[smem:$0x3FAA] =	sst s8  }
0x11: {  	[smem:$0x3FAB] =	sst s9;
	s0 =	simm.s32 @!p0 $0x0  }
0x12: {  	s1 =	sld [smem:$0x3F91];
	s0 =	simm.s32 @p0 $0x1  }
0x13: {  	[smem:$0x3FAC] =	sst s0;
	s0 =	simm.s32 @!p1 $0x0  }
0x14: {  	s2 =	sld [smem:$0x3F90];
	s0 =	simm.s32 @p1 $0x1  }
0x15: {  	[smem:$0x3FAD] =	sst s0;
	s0 =	simm.s32 @!p2 $0x0  }
0x16: {  	s3 =	sld [smem:$0x3FDB];
	s0 =	simm.s32 @p2 $0x1  }
0x17: {  	s4 =	simm.s32 $0x1BF5;
	[smem:$0x3FAF] =	sst s0  }
0x18: {  	s0 =	sld [smem:$0x3F92];
	_ =	swait.ge [sflag:s4], $0x0  }
0x19: {  	s7 =	sld [smem:$0x3F93]  }
0x1a: {  	s8 =	sadd.s32 $0xFFFFE003, lr  }
0x1b: {  	s9 =	sadd.s32 $0xFFFFFEF7, lr;
	s5 =	simm.s32 $0xFFFFFFFF;
	p2 =	slt.u32 s8, $0xFFFFF086  }
0x1c: {  	p1 =	slt.u32 s9, $0xF7A;
	s5 =	simm.s32 @!p2 $0x0  }
0x1d: {  	s5 =	simm.s32 @p1 $0x1;
	p0 =	seq.s32 s7, s2  }
0x1e: {  	s7 =	smul.u32 @!p0 $0xF7A, s2;
	p2 =	seq.s32 @!p0 s5, $0x0  }
0x1f: {  	s9 =	smul.u32 $0xF7A, s1;
	s8 =	simm.s32 @!p0 $0x1BF5;
	p2 =	por !p2, p0  }
0x20: {  	[sflag:s8] =	ssyncset.s32 @!p0 $0xFFFFF086;
	s6 =	sadd.s32 @!p0 s3, s7;
	s7 =	simm.s32 @!p0 $0x108  }
0x21: {  	s3 =	sadd.s32 s3, s9;
	s6 =	sadd.s32 @!p0 $0x88, s6;
	s7 =	simm.s32 @p2 $0x1082  }
0x22: {  	[simem:s7], [sflag:s8] =	dma.local @!p0 [hbm:s6], $0xF7A  }
0x23: {  	s9 =	sor.u32 $0xD0000000, s2;
	s6 =	simm.s32 $0x108;
	_ =	swait.ge @!p0 [sflag:s8], $0x0  }
0x24: {  	s3 =	sadd.s32 $0x88, s3;
	s6 =	simm.s32 @!p1 $0x1082;
	[sflag:s4] =	ssyncset.s32 $0xFFFFF086  }
0x25: {  	[simem:s6], [sflag:s4] =	dma.local [hbm:s3], $0xF7A  }
0x26: {  	[smem:$0x3F93] =	sst s1;
	(tag) =	ssettag s2;
	_ =	strace s9  }
0x27: {  	s1 =	sld [smem:$0x3FA3]  }
0x28: {  	s2 =	sld [smem:$0x3FA4]  }
0x29: {  	s4 =	sld [smem:$0x3FA6]  }
0x2a: {  	p0 =	seq.s32 s5, $0x0;
	s5 =	sld [smem:$0x3FA7]  }
0x2b: {  	s6 =	sld [smem:$0x3FA8]  }
0x2c: {  	s7 =	sld [smem:$0x3FA9]  }
0x2d: {  	s3 =	simm.s32 $0x108;
	s8 =	sld [smem:$0x3FAA]  }
0x2e: {  	s3 =	simm.s32 @!p0 $0x1082;
	s9 =	sld [smem:$0x3FAB]  }
0x2f: {  	lr =	sadd.s32 s0, s3;
	s0 =	sld [smem:$0x3FA2]  }
0x30: {  	s3 =	sld [smem:$0x3FA5]  }
0x31: {  	[smem:$0x3FAE] =	sst s10  }
0x32: {  	s10 =	sld [smem:$0x3FAC];
	_ =	sdelay $0x3  }
0x33: {  	p0 =	seq.s32 s10, $0x1;
	s10 =	sld [smem:$0x3FAE];
	_ =	sdelay $0x3  }
0x34: {  	[smem:$0x3FAE] =	sst s10  }
0x35: {  	s10 =	sld [smem:$0x3FAD];
	_ =	sdelay $0x3  }
0x36: {  	p1 =	seq.s32 s10, $0x1;
	s10 =	sld [smem:$0x3FAE];
	_ =	sdelay $0x3  }
0x37: {  	[smem:$0x3FAE] =	sst s10  }
0x38: {  	s10 =	sld [smem:$0x3FAF]  }
0x39: {  	_ = 	snop;
	(pc) =	sbr.ind lr, $3  }
0x3a: {  	_ = 	snop  }
0x3b: {  	_ = 	snop  }
0x3c: {  	p2 =	seq.s32 s10, $0x1;
	s10 =	sld [smem:$0x3FAE]  }
0x3d: {  	_ =	shalt  }
0x3e: {  	_ =	shalt  }
0x3f: {  	_ =	shalt  }
0x40: {  	_ =	shalt  }
0x41: {  	_ =	shalt  }
0x42: {  	_ =	shalt  }
0x43: {  	_ =	shalt  }
0x44: {  	_ =	shalt  }
0x45: {  	_ =	shalt  }
0x46: {  	_ =	shalt  }
0x47: {  	_ =	shalt  }
0x48: {  	_ =	shalt  }
0x49: {  	_ =	shalt  }
0x4a: {  	_ =	shalt  }
0x4b: {  	_ =	shalt  }
0x4c: {  	_ =	shalt  }
0x4d: {  	_ =	shalt  }
0x4e: {  	_ =	shalt  }
0x4f: {  	_ =	shalt  }
0x50: {  	_ =	shalt  }
0x51: {  	_ =	shalt  }
0x52: {  	_ =	shalt  }
0x53: {  	_ =	shalt  }
0x54: {  	_ =	shalt  }
0x55: {  	_ =	shalt  }
0x56: {  	_ =	shalt  }
0x57: {  	_ =	shalt  }
0x58: {  	_ =	shalt  }
0x59: {  	_ =	shalt  }
0x5a: {  	_ =	shalt  }
0x5b: {  	_ =	shalt  }
0x5c: {  	_ =	shalt  }
0x5d: {  	_ =	shalt  }
0x5e: {  	_ =	shalt  }
0x5f: {  	_ =	shalt  }
0x60: {  	_ =	shalt  }
0x61: {  	_ =	shalt  }
0x62: {  	_ =	shalt  }
0x63: {  	_ =	shalt  }
0x64: {  	_ =	shalt  }
0x65: {  	_ =	shalt  }
0x66: {  	_ =	shalt  }
0x67: {  	_ =	shalt  }
0x68: {  	_ =	shalt  }
0x69: {  	_ =	shalt  }
0x6a: {  	_ =	shalt  }
0x6b: {  	_ =	shalt  }
0x6c: {  	_ =	shalt  }
0x6d: {  	_ =	shalt  }
0x6e: {  	_ =	shalt  }
0x6f: {  	_ =	shalt  }
0x70: {  	_ =	shalt  }
0x71: {  	_ =	shalt  }
0x72: {  	_ =	shalt  }
0x73: {  	_ =	shalt  }
0x74: {  	_ =	shalt  }
0x75: {  	_ =	shalt  }
0x76: {  	_ =	shalt  }
0x77: {  	_ =	shalt  }
0x78: {  	_ =	shalt  }
0x79: {  	_ =	shalt  }
0x7a: {  	_ =	shalt  }
0x7b: {  	_ =	shalt  }
0x7c: {  	_ =	shalt  }
0x7d: {  	_ =	shalt  }
0x7e: {  	_ =	shalt  }
0x7f: {  	_ =	shalt  }
0x80: {  	_ =	shalt  }
0x81: {  	_ =	shalt  }
0x82: {  	_ =	shalt  }
0x83: {  	_ =	shalt  }
0x84: {  	_ =	shalt  }
0x85: {  	_ =	shalt  }
0x86: {  	_ =	shalt  }
0x87: {  	_ =	shalt  }
.Lfunc_end0:
.L_simem_size_0:
called_computation.2_lowered:
.L_overlay_start_0:
0x88: {  	s2 =	sld [smem:$0x3FD9]  }
0x89: {  	s3 =	sld [smem:$0x3FFE];
	_ =	sdelay $0x1  }
0x8a: {  	s1 =	srdreg.scid  }
0x8b: {  	s0 =	sand.u32 $0x1, s1  }
0x8c: {  	s17 =	sshll.u32 s0, $0xA;
	s2 =	sadd.s32 s3, s2  }
0x8d: {  	s2 =	sadd.s32 s2, s17  }
0x8e: {  	[smem:$0x3FBA] =	sst s2  }
0x8f: {  	_ = 	snop  }
0x90: {  	(tm) =	ssettm $0x1  }
0x91: {  	s18 =	sld [smem:$0x3FFB];
	_ =	sdelay $0x3  }
0x92: {  	_ =	strace s18  }
0x93: {  	s2 =	sld [smem:$0x3FFC];
	_ =	sdelay $0x3  }
0x94: {  	_ =	strace s2  }
0x95: {  	s2 =	sld [smem:$0x3FFD];
	_ =	sdelay $0x3  }
0x96: {  	_ =	strace s2  }
0x97: {  	_ =	strace $0x8FFFFFFF  }
0x98: {  	s19 =	sld [smem:$0x3FDB];
	_ =	sdelay $0x1  }
0x99: {  	s20 =	simm.s32 $_scs_section_size  }
0x9a: {  	s4 =	simm.s32 $_size__tile_overlayer_lowered;
	s5 =	simm.s32 $_tile_overlayer_lowered  }
0x9b: {  	s6 =	simm.s32 $0x1BFF;
	s21 =	sshll.u32 s5, $0x1;
	s3 =	sadd.s32 s20, s19  }
0x9c: {  	s22 =	simm.s32 $0x0;
	s4 =	sshll.u32 s4, $0x1;
	s5 =	sadd.s32 s21, s3  }
0x9d: {  	[timem:s22], [sflag:s6] =	dma.local [hbm:s5], s4  }
0x9e: {  	_ =	swait.ge [sflag:s6], s4  }
0x9f: {  	s4 =	ssub.s32 $0x0, s4;
	[sflag:s6] =	ssyncset.done $0x0  }
0xa0: {  	[sflag:s6] =	ssyncadd.s32 s4;
	_ =	sdelay $0x1  }
0xa1: {  	s23 =	simm.s32 $0x1B8B  }
0xa2: {  	_ =	swait.ge [sflag:s23], $0x1  }
0xa3: {  	[sflag:s23] =	ssyncset.done $0x0  }
0xa4: {  	[sflag:s23] =	ssyncadd.s32 $0xFFFFFFFF  }
0xa5: {  	s4 =	sld [smem:$0x0]  }
0xa6: {  	s5 =	sand.u32 $0xFFFFFFFE, s1  }
0xa7: {  	p0 =	sne.s32 s1, s5  }
0xa8: {  	s5 =	sshll.u32 @p0 s5, $0xE  }
0xa9: {  	s5 =	sadd.s32 @p0 $0x11B8D, s5;
	s6 =	sshll.u32 @p0 s4, $0x11  }
0xaa: {  	s5 =	sor.u32 @p0 s6, s5  }
0xab: {  	[sflag:s5] =	ssyncadd.remote.s32 @p0 $0x1;
	_ =	sdelay $0x1  }
0xac: {  	s5 =	simm.s32 @p0 $0x1B8D  }
0xad: {  	_ =	swait.eq @p0 [sflag:s5], $0x1  }
0xae: {  	[sflag:s5] =	ssyncadd.s32 @p0 $0xFFFFFFFF  }
0xaf: {  	s6 =	sshll.u32 @!p0 s1, $0xE  }
0xb0: {  	s6 =	sor.u32 @!p0 $0x4000, s6;
	s5 =	simm.s32 @!p0 $0x1B8D  }
0xb1: {  	s4 =	sshll.u32 @!p0 s4, $0x11;
	s6 =	sadd.s32 @!p0 $0x11B8D, s6;
	_ =	swait.eq @!p0 [sflag:s5], $0x1  }
0xb2: {  	s4 =	sor.u32 @!p0 s4, s6;
	[sflag:s5] =	ssyncadd.s32 @!p0 $0xFFFFFFFF  }
0xb3: {  	s25 =	simm.s32 $0x1B8E;
	s24 =	sld [smem:$0x3FFE];
	[sflag:s4] =	ssyncadd.remote.s32 @!p0 $0x1  }
0xb4: {  	s26 =	simm.s32 $execute0_lowered;
	[smem:$0x3FD2] =	sst s25  }
0xb5: {  	s5 =	sshll.u32 s26, $0x1;
	_ =	strace $0x8000004C;
	[dreg:$0x1] =	wrdreg $0xFFFFFFFF  }
0xb6: {  	s28 =	simm.s32 $_size_execute0_lowered;
	s3 =	sadd.s32 s3, s5;
	[dreg:$0x0] =	wrdreg $0x0  }
0xb7: {  	s5 =	sshll.u32 s28, $0x1;
	[dreg:$0x2] =	wrdreg s3  }
0xb8: {  	[dreg:$0x3] =	wrdreg s5  }
0xb9: {  	[dreg:$0x4] =	wrdreg $0xC0  }
0xba: {  	_ =	task [dreg:s22], $0x5FFFF  }
0xbb: {  	[dreg:$0x1] =	wrdreg $0xFFFFFFFF  }
0xbc: {  	[dreg:$0x0] =	wrdreg $0x60  }
0xbd: {  	[dreg:$0x2] =	wrdreg s24  }
0xbe: {  	[dreg:$0x3] =	wrdreg $0x14C080  }
0xbf: {  	[dreg:$0x4] =	wrdreg $0xA  }
0xc0: {  	_ =	task.clear_ibuf [dreg:s22], $0x5FFFF;
	_ =	strace $0x9000004C  }
0xc1: {  	s29 =	simm.s32 $0xA;
	_ =	strace $0x8000004E  }
0xc2: {  	_ =	swait.ge [sflag:s29], $0x1  }
0xc3: {  	[sflag:s29] =	ssyncadd.s32 $0xFFFFFFFF  }
0xc4: {  	_ =	strace $0x9000004E  }
0xc5: {  	_ =	sfence  }
0xc6: {  	s30 =	sld [smem:$0x0];
	_ =	sdelay $0x2  }
0xc7: {  	s31 =	sshll.u32 s1, $0xD;
	s1 =	sshrl.u32 s1, $0x2  }
0xc8: {  	s4 =	sand.u32 $0x4000, s31;
	s1 =	sadd.s32 s1, s30  }
0xc9: {  	s0 =	sor.u32 s4, s0;
	s1 =	sshll.u32 s1, $0x11  }
0xca: {  	s0 =	sor.u32 s1, s0  }
0xcb: {  	s0 =	sadd.s32 $0x8F2B, s0  }
0xcc: {  	[sflag:s0] =	ssyncadd.remote.s32 $0x1  }
0xcd: {  	_ =	sfence.sel $0xFFFF  }
0xce: {  	[dreg:$0x0] =	wrdreg $0xFFFFFFFF;
	(pc) =	sbr.abs _section_cstart, $3  }
0xcf: {  	[dreg:$0x1] =	wrdreg $0xFFFFFFFF  }
0xd0: {  	_ =	task.clear_ibuf [dreg:s22], $0x2FFFF;
	_ =	strace $0x9FFFFFFF  }
0xd1: {  	(tm) =	ssettm $0x7FFFFFFF  }
tec
execute0_lowered:
.L_overlay_start_1:
0x0: {  	(tag) =	ssettag $0x1  }
0x1: {  	s1 =	srdreg.scid;
	s0 =	stileid.u32  }
0x2: {  	s12 =	sand.u32 $0x1, s1;
	s28 =	sshll.u32 s0, $0x1  }
0x3: {  	s11 =	rddreg [dreg:$0x0];
	s4 =	sor.u32 s12, s28  }
0x4: {  	s2 =	rddreg [dreg:$0x1];
	s3 =	simm.s32 $0x0;
	s5 =	smul.u32 $0x271, s4  }
0x5: {  	[smem:$0x7FF] =	sst s3  }
0x6: {  	s1 =	rddreg [dreg:$0x2];
	_ =	strace $0x8000004D;
	s29 =	sadd.s32 s5, s11  }
0x7: {  	s6 =	smul.u32 $0x2710, s4;
	s4 =	simm.s32 $0x1;
	s5 =	sadd.s32 $0xE000, s29  }
0x8: {  	[tilespmem:s3], [sflag:$0x1] =	stream.linear.gather [hbm4b:s5+s3], $0x1388, $0x38;
	[tilespmem:$0x17318] =	vst v63  }
0x9: {  	s7 =	simm.s32 $0x1388;
	_ =	swait.ge [sflag:s4], $0x1388  }
0xa: {  	s8 =	smul.u32 $0x2710, s0;
	s6 =	sadd.s32 s6, s11;
	[sflag:s4] =	ssyncset.done $0x0  }
0xb: {  	s30 =	sshll.u32 s0, $0x6;
	s6 =	sadd.s32 $0x13000, s6;
	[sflag:s4] =	ssyncadd.s32 $0xFFFFEC78  }
0xc: {  	[tilespmem:s7], [sflag:$0x1] =	stream.linear.gather [hbm4b:s6+s3], $0x13880, $0x38;
	[tilespmem:$0x17318] =	vst v63  }
0xd: {  	s9 =	sshrl.u32 s8, $0x3;
	s10 =	sadd.s32 s8, s2;
	_ =	swait.ge [sflag:s4], $0x13880  }
0xe: {  	s9 =	sadd.s32 s9, s11;
	s10 =	sshrl.u32 s10, $0x3;
	[sflag:s4] =	ssyncset.done $0x0  }
0xf: {  	s8 =	sadd.s32 $0x61200, s9;
	s9 =	sor.u32 $0x1C01, s30;
	[sflag:s4] =	ssyncadd.s32 $0xFFFEC780  }
0x10: {  	[spmem:s10], [sflag:s9] =	dma.local [hbm:s8], $0x4E2  }
0x11: {  	_ =	swait.ge [sflag:s4], $0x4E2  }
0x12: {  	s13 =	smul.u32 $0x4E20, s12;
	s12 =	ssub.s32 $0x2, s12;
	[sflag:s4] =	ssyncset.done $0x0  }
0x13: {  	s31 =	sshrl.u32 s12, $0x1;
	[sflag:s4] =	ssyncadd.s32 $0xFFFFFB1E  }
0x14: {  	s14 =	smul.u32 $0x4E2, s0;
	s12 =	ssub.s32 s12, s31;
	[bflag:$0x0] =	sbarrier.arrive $0xFFFF  }
0x15: {  	[spmem:s2] =	stream.indirect.scatter.add.f32 [tilespmem:s7], [sflag:$0x1], $0x10, s3, s7, $0xb8;
	[tilespmem:$0x17318] =	vst v63  }
0x16: {  	s12 =	smax.u32 s12, $0x1;
	_ =	swait.ge [sflag:s4], $0x13880  }
0x17: {  	s13 =	sadd.s32 s14, s13;
	p0 =	sne.s32 s12, $0x1;
	[sflag:s4] =	ssyncset.done $0x0  }
.Ltmp0:
0x18: {  	s11 =	sadd.s32 s13, s11;
	[sflag:s4] =	ssyncadd.s32 $0xFFFEC780;
	(pc) =	sbr.rel @!p0 .LBB2_2-.Ltmp0, $4  }
0x19: {  	s11 =	sadd.s32 $0x70000, s11;
	[bflag:$0x0] =	sbarrier.arrive $0xFFFF  }
0x1a: {  	[hbm:s11], [sflag:s9] =	dma.local [spmem:s10], $0x4E2  }
0x1b: {  	_ =	swait.ge [sflag:s4], $0x4E2  }
0x1c: {  	s12 =	sadd.s32 $0xFFFFFFFF, s12;
	[sflag:s4] =	ssyncset.done $0x0  }
.LBB2_1:
0x1d: {  	p0 =	sne.s32 s12, $0x1;
	s12 =	sadd.s32 $0xFFFFFFFF, s12;
	[sflag:s4] =	ssyncadd.s32 $0xFFFFFB1E  }
0x1e: {  	[tilespmem:s3], [sflag:$0x1] =	stream.linear.gather [hbm4b:s5+s3], $0x1388, $0x38;
	[tilespmem:$0x17318] =	vst v63  }
0x1f: {  	_ =	swait.ge [sflag:s4], $0x1388  }
0x20: {  	[sflag:s4] =	ssyncset.done $0x0  }
0x21: {  	[sflag:s4] =	ssyncadd.s32 $0xFFFFEC78  }
0x22: {  	[tilespmem:s7], [sflag:$0x1] =	stream.linear.gather [hbm4b:s6+s3], $0x13880, $0x38;
	[tilespmem:$0x17318] =	vst v63  }
0x23: {  	_ =	swait.ge [sflag:s4], $0x13880  }
0x24: {  	[sflag:s4] =	ssyncset.done $0x0  }
0x25: {  	[sflag:s4] =	ssyncadd.s32 $0xFFFEC780  }
0x26: {  	[spmem:s10], [sflag:s9] =	dma.local [hbm:s8], $0x4E2  }
0x27: {  	_ =	swait.ge [sflag:s4], $0x4E2  }
0x28: {  	[sflag:s4] =	ssyncset.done $0x0  }
0x29: {  	[sflag:s4] =	ssyncadd.s32 $0xFFFFFB1E  }
0x2a: {  	[bflag:$0x0] =	sbarrier.arrive $0xFFFF  }
0x2b: {  	[spmem:s2] =	stream.indirect.scatter.add.f32 [tilespmem:s7], [sflag:$0x1], $0x10, s3, s7, $0xb8;
	[tilespmem:$0x17318] =	vst v63  }
0x2c: {  	_ =	swait.ge [sflag:s4], $0x13880  }
0x2d: {  	[sflag:s4] =	ssyncset.done $0x0  }
.Ltmp1:
0x2e: {  	[sflag:s4] =	ssyncadd.s32 $0xFFFEC780;
	(pc) =	sbr.rel @p0 .LBB2_1-.Ltmp1, $4  }
0x2f: {  	[bflag:$0x0] =	sbarrier.arrive $0xFFFF  }
0x30: {  	[hbm:s11], [sflag:s9] =	dma.local [spmem:s10], $0x4E2  }
0x31: {  	_ =	swait.ge [sflag:s4], $0x4E2  }
0x32: {  	[sflag:s4] =	ssyncset.done $0x0  }
.LBB2_2:
0x33: {  	[sflag:s4] =	ssyncadd.s32 $0xFFFFFB1E  }
0x34: {  	_ =	sfence.sel $0x180000  }
0x35: {  	[bflag:$0x0] =	sbarrier.arrive $0xFFFF  }
0x36: {  	p0 =	sne.s32 s0, $0x0;
	_ =	strace $0x9000004D  }
0x37: {  	s0 =	sadd.s32 @!p0 $0x100000, s1;
	[bflag:$0x2] =	sbarrier.arrive $0xFFFF  }
0x38: {  	[sflag:s0] =	ssyncadd.tile.s32 @!p0 $0x1;
	_ =	shalt  }
.Lfunc_end2:
_tile_overlayer_lowered:
.L_overlay_start_2:
0x39: {  	(tag) =	ssettag $0x2  }
0x3a: {  	s0 =	rddreg [dreg:$0x0];
	s2 =	stileid.u32  }
0x3b: {  	s1 =	rddreg [dreg:$0x1];
	p0 =	sne.s32 s2, $0x0  }
0x3c: {  	s3 =	rddreg [dreg:$0x2];
	[bflag:$0x3] =	sbarrier.arrive $0xFFFF;
	s2 =	simm.s32 @!p0 $0x1C01  }
0x3d: {  	[timem:s3], [sflag:s2] =	dma.local @!p0 [hbm:s0], s1  }
0x3e: {  	s0 =	simm.s32 @!p0 $0x1  }
0x3f: {  	_ =	swait.ge @!p0 [sflag:s0], s1  }
0x40: {  	s1 =	ssub.s32 @!p0 $0x0, s1;
	[sflag:s0] =	ssyncset.done @!p0 $0x0  }
0x41: {  	[sflag:s0] =	ssyncadd.s32 @!p0 s1  }
0x42: {  	[bflag:$0x3] =	sbarrier.arrive $0xFFFF  }
0x43: {  	_ =	shalt  }

// kernel: kernel.23.cloned.1.call-start
scs
__scs_entry_jumppad:
0x0: {  	(pc) =	sbr.rel $0x88, $3  }
0x1: {  	(tag) =	ssettag $0x0;
	lr =	simm.s32 $0x1  }
0x2: {  	[smem:$0x3F93] =	sst lr;
	_ =	strace $0xD0000000  }
0x3: {  	_ = 	snop  }
0x4: {  	_ = 	snop  }
0x5: {  	_ = 	snop  }
0x6: {  	_ = 	snop  }
0x7: {  	_ = 	snop  }
__scs_overlays_trampoline_lowered:
0x8: {  	[smem:$0x3FA2] =	sst s0  }
0x9: {  	[smem:$0x3FA3] =	sst s1  }
0xa: {  	[smem:$0x3FA4] =	sst s2  }
0xb: {  	[smem:$0x3FA5] =	sst s3  }
0xc: {  	[smem:$0x3FA6] =	sst s4  }
0xd: {  	[smem:$0x3FA7] =	sst s5  }
0xe: {  	[smem:$0x3FA8] =	sst s6  }
0xf: {  	[smem:$0x3FA9] =	sst s7  }
0x10: {  	[smem:$0x3FAA] =	sst s8  }
0x11: {  	[smem:$0x3FAB] =	sst s9;
	s0 =	simm.s32 @!p0 $0x0  }
0x12: {  	s1 =	sld [smem:$0x3F91];
	s0 =	simm.s32 @p0 $0x1  }
0x13: {  	[smem:$0x3FAC] =	sst s0;
	s0 =	simm.s32 @!p1 $0x0  }
0x14: {  	s2 =	sld [smem:$0x3F90];
	s0 =	simm.s32 @p1 $0x1  }
0x15: {  	[smem:$0x3FAD] =	sst s0;
	s0 =	simm.s32 @!p2 $0x0  }
0x16: {  	s3 =	sld [smem:$0x3FDB];
	s0 =	simm.s32 @p2 $0x1  }
0x17: {  	s4 =	simm.s32 $0x1BF5;
	[smem:$0x3FAF] =	sst s0  }
0x18: {  	s0 =	sld [smem:$0x3F92];
	_ =	swait.ge [sflag:s4], $0x0  }
0x19: {  	s7 =	sld [smem:$0x3F93]  }
0x1a: {  	s8 =	sadd.s32 $0xFFFFE003, lr  }
0x1b: {  	s9 =	sadd.s32 $0xFFFFFEF7, lr;
	s5 =	simm.s32 $0xFFFFFFFF;
	p2 =	slt.u32 s8, $0xFFFFF086  }
0x1c: {  	p1 =	slt.u32 s9, $0xF7A;
	s5 =	simm.s32 @!p2 $0x0  }
0x1d: {  	s5 =	simm.s32 @p1 $0x1;
	p0 =	seq.s32 s7, s2  }
0x1e: {  	s7 =	smul.u32 @!p0 $0xF7A, s2;
	p2 =	seq.s32 @!p0 s5, $0x0  }
0x1f: {  	s9 =	smul.u32 $0xF7A, s1;
	s8 =	simm.s32 @!p0 $0x1BF5;
	p2 =	por !p2, p0  }
0x20: {  	[sflag:s8] =	ssyncset.s32 @!p0 $0xFFFFF086;
	s6 =	sadd.s32 @!p0 s3, s7;
	s7 =	simm.s32 @!p0 $0x108  }
0x21: {  	s3 =	sadd.s32 s3, s9;
	s6 =	sadd.s32 @!p0 $0x88, s6;
	s7 =	simm.s32 @p2 $0x1082  }
0x22: {  	[simem:s7], [sflag:s8] =	dma.local @!p0 [hbm:s6], $0xF7A  }
0x23: {  	s9 =	sor.u32 $0xD0000000, s2;
	s6 =	simm.s32 $0x108;
	_ =	swait.ge @!p0 [sflag:s8], $0x0  }
0x24: {  	s3 =	sadd.s32 $0x88, s3;
	s6 =	simm.s32 @!p1 $0x1082;
	[sflag:s4] =	ssyncset.s32 $0xFFFFF086  }
0x25: {  	[simem:s6], [sflag:s4] =	dma.local [hbm:s3], $0xF7A  }
0x26: {  	[smem:$0x3F93] =	sst s1;
	(tag) =	ssettag s2;
	_ =	strace s9  }
0x27: {  	s1 =	sld [smem:$0x3FA3]  }
0x28: {  	s2 =	sld [smem:$0x3FA4]  }
0x29: {  	s4 =	sld [smem:$0x3FA6]  }
0x2a: {  	p0 =	seq.s32 s5, $0x0;
	s5 =	sld [smem:$0x3FA7]  }
0x2b: {  	s6 =	sld [smem:$0x3FA8]  }
0x2c: {  	s7 =	sld [smem:$0x3FA9]  }
0x2d: {  	s3 =	simm.s32 $0x108;
	s8 =	sld [smem:$0x3FAA]  }
0x2e: {  	s3 =	simm.s32 @!p0 $0x1082;
	s9 =	sld [smem:$0x3FAB]  }
0x2f: {  	lr =	sadd.s32 s0, s3;
	s0 =	sld [smem:$0x3FA2]  }
0x30: {  	s3 =	sld [smem:$0x3FA5]  }
0x31: {  	[smem:$0x3FAE] =	sst s10  }
0x32: {  	s10 =	sld [smem:$0x3FAC];
	_ =	sdelay $0x3  }
0x33: {  	p0 =	seq.s32 s10, $0x1;
	s10 =	sld [smem:$0x3FAE];
	_ =	sdelay $0x3  }
0x34: {  	[smem:$0x3FAE] =	sst s10  }
0x35: {  	s10 =	sld [smem:$0x3FAD];
	_ =	sdelay $0x3  }
0x36: {  	p1 =	seq.s32 s10, $0x1;
	s10 =	sld [smem:$0x3FAE];
	_ =	sdelay $0x3  }
0x37: {  	[smem:$0x3FAE] =	sst s10  }
0x38: {  	s10 =	sld [smem:$0x3FAF]  }
0x39: {  	_ = 	snop;
	(pc) =	sbr.ind lr, $3  }
0x3a: {  	_ = 	snop  }
0x3b: {  	_ = 	snop  }
0x3c: {  	p2 =	seq.s32 s10, $0x1;
	s10 =	sld [smem:$0x3FAE]  }
0x3d: {  	_ =	shalt  }
0x3e: {  	_ =	shalt  }
0x3f: {  	_ =	shalt  }
0x40: {  	_ =	shalt  }
0x41: {  	_ =	shalt  }
0x42: {  	_ =	shalt  }
0x43: {  	_ =	shalt  }
0x44: {  	_ =	shalt  }
0x45: {  	_ =	shalt  }
0x46: {  	_ =	shalt  }
0x47: {  	_ =	shalt  }
0x48: {  	_ =	shalt  }
0x49: {  	_ =	shalt  }
0x4a: {  	_ =	shalt  }
0x4b: {  	_ =	shalt  }
0x4c: {  	_ =	shalt  }
0x4d: {  	_ =	shalt  }
0x4e: {  	_ =	shalt  }
0x4f: {  	_ =	shalt  }
0x50: {  	_ =	shalt  }
0x51: {  	_ =	shalt  }
0x52: {  	_ =	shalt  }
0x53: {  	_ =	shalt  }
0x54: {  	_ =	shalt  }
0x55: {  	_ =	shalt  }
0x56: {  	_ =	shalt  }
0x57: {  	_ =	shalt  }
0x58: {  	_ =	shalt  }
0x59: {  	_ =	shalt  }
0x5a: {  	_ =	shalt  }
0x5b: {  	_ =	shalt  }
0x5c: {  	_ =	shalt  }
0x5d: {  	_ =	shalt  }
0x5e: {  	_ =	shalt  }
0x5f: {  	_ =	shalt  }
0x60: {  	_ =	shalt  }
0x61: {  	_ =	shalt  }
0x62: {  	_ =	shalt  }
0x63: {  	_ =	shalt  }
0x64: {  	_ =	shalt  }
0x65: {  	_ =	shalt  }
0x66: {  	_ =	shalt  }
0x67: {  	_ =	shalt  }
0x68: {  	_ =	shalt  }
0x69: {  	_ =	shalt  }
0x6a: {  	_ =	shalt  }
0x6b: {  	_ =	shalt  }
0x6c: {  	_ =	shalt  }
0x6d: {  	_ =	shalt  }
0x6e: {  	_ =	shalt  }
0x6f: {  	_ =	shalt  }
0x70: {  	_ =	shalt  }
0x71: {  	_ =	shalt  }
0x72: {  	_ =	shalt  }
0x73: {  	_ =	shalt  }
0x74: {  	_ =	shalt  }
0x75: {  	_ =	shalt  }
0x76: {  	_ =	shalt  }
0x77: {  	_ =	shalt  }
0x78: {  	_ =	shalt  }
0x79: {  	_ =	shalt  }
0x7a: {  	_ =	shalt  }
0x7b: {  	_ =	shalt  }
0x7c: {  	_ =	shalt  }
0x7d: {  	_ =	shalt  }
0x7e: {  	_ =	shalt  }
0x7f: {  	_ =	shalt  }
0x80: {  	_ =	shalt  }
0x81: {  	_ =	shalt  }
0x82: {  	_ =	shalt  }
0x83: {  	_ =	shalt  }
0x84: {  	_ =	shalt  }
0x85: {  	_ =	shalt  }
0x86: {  	_ =	shalt  }
0x87: {  	_ =	shalt  }
.Lfunc_end0:
.L_simem_size_0:
called_computation.3_lowered:
.L_overlay_start_0:
0x88: {  	s2 =	sld [smem:$0x3FD9]  }
0x89: {  	s3 =	sld [smem:$0x3FFE];
	_ =	sdelay $0x1  }
0x8a: {  	s1 =	srdreg.scid  }
0x8b: {  	s0 =	sand.u32 $0x1, s1  }
0x8c: {  	s16 =	sshll.u32 s0, $0xA;
	s2 =	sadd.s32 s3, s2  }
0x8d: {  	s2 =	sadd.s32 s2, s16  }
0x8e: {  	[smem:$0x3FBA] =	sst s2  }
0x8f: {  	_ = 	snop  }
0x90: {  	(tm) =	ssettm $0x1  }
0x91: {  	s17 =	sld [smem:$0x3FFB];
	_ =	sdelay $0x3  }
0x92: {  	_ =	strace s17  }
0x93: {  	s2 =	sld [smem:$0x3FFC];
	_ =	sdelay $0x3  }
0x94: {  	_ =	strace s2  }
0x95: {  	s2 =	sld [smem:$0x3FFD];
	_ =	sdelay $0x3  }
0x96: {  	_ =	strace s2  }
0x97: {  	_ =	strace $0x8FFFFFFF  }
0x98: {  	s18 =	sld [smem:$0x3FDB];
	_ =	sdelay $0x1  }
0x99: {  	s19 =	simm.s32 $_scs_section_size  }
0x9a: {  	s4 =	simm.s32 $_size__tile_overlayer_lowered;
	s5 =	simm.s32 $_tile_overlayer_lowered  }
0x9b: {  	s22 =	simm.s32 $0x1BFF;
	s21 =	sshll.u32 s5, $0x1;
	s2 =	sadd.s32 s19, s18  }
0x9c: {  	s6 =	simm.s32 $0x0;
	s20 =	sshll.u32 s4, $0x1;
	s4 =	sadd.s32 s21, s2  }
0x9d: {  	[timem:s6], [sflag:s22] =	dma.local [hbm:s4], s20  }
0x9e: {  	_ =	swait.ge [sflag:s22], s20  }
0x9f: {  	s3 =	ssub.s32 $0x0, s20;
	[sflag:s22] =	ssyncset.done $0x0  }
0xa0: {  	[sflag:s22] =	ssyncadd.s32 s3;
	_ =	sdelay $0x1  }
0xa1: {  	s23 =	simm.s32 $0x1B8B  }
0xa2: {  	_ =	swait.ge [sflag:s23], $0x1  }
0xa3: {  	[sflag:s23] =	ssyncset.done $0x0  }
0xa4: {  	s25 =	simm.s32 $0x1B8E;
	s24 =	sld [smem:$0x3FFE];
	[sflag:s23] =	ssyncadd.s32 $0xFFFFFFFF  }
0xa5: {  	s26 =	simm.s32 $execute0_lowered;
	[smem:$0x3FD2] =	sst s25  }
0xa6: {  	s4 =	sshll.u32 s26, $0x1;
	_ =	strace $0x8000004F;
	[dreg:$0x1] =	wrdreg $0xFFFFFFFF  }
0xa7: {  	s28 =	simm.s32 $_size_execute0_lowered;
	s2 =	sadd.s32 s2, s4;
	[dreg:$0x0] =	wrdreg $0x0  }
0xa8: {  	s4 =	sshll.u32 s28, $0x1;
	[dreg:$0x2] =	wrdreg s2  }
0xa9: {  	[dreg:$0x3] =	wrdreg s4  }
0xaa: {  	[dreg:$0x4] =	wrdreg $0xC0  }
0xab: {  	_ =	task [dreg:s6], $0x5FFFF  }
0xac: {  	[dreg:$0x1] =	wrdreg $0xFFFFFFFF  }
0xad: {  	[dreg:$0x0] =	wrdreg $0x60  }
0xae: {  	[dreg:$0x2] =	wrdreg s24  }
0xaf: {  	[dreg:$0x3] =	wrdreg $0x9  }
0xb0: {  	_ =	task.clear_ibuf [dreg:s6], $0x4FFFF;
	_ =	strace $0x9000004F  }
0xb1: {  	s29 =	simm.s32 $0x9;
	_ =	strace $0x80000051  }
0xb2: {  	_ =	swait.ge [sflag:s29], $0x1  }
0xb3: {  	[sflag:s29] =	ssyncadd.s32 $0xFFFFFFFF  }
0xb4: {  	_ =	strace $0x90000051  }
0xb5: {  	_ =	sfence  }
0xb6: {  	s30 =	sld [smem:$0x0];
	_ =	sdelay $0x2  }
0xb7: {  	s31 =	sshll.u32 s1, $0xD;
	s1 =	sshrl.u32 s1, $0x2  }
0xb8: {  	s3 =	sand.u32 $0x4000, s31;
	s1 =	sadd.s32 s1, s30  }
0xb9: {  	s0 =	sor.u32 s3, s0;
	s1 =	sshll.u32 s1, $0x11  }
0xba: {  	s0 =	sor.u32 s1, s0  }
0xbb: {  	s0 =	sadd.s32 $0x8F2B, s0  }
0xbc: {  	[sflag:s0] =	ssyncadd.remote.s32 $0x1  }
0xbd: {  	_ =	sfence.sel $0xFFFF  }
0xbe: {  	[dreg:$0x0] =	wrdreg $0xFFFFFFFF;
	(pc) =	sbr.abs _section_cstart, $3  }
0xbf: {  	[dreg:$0x1] =	wrdreg $0xFFFFFFFF  }
0xc0: {  	_ =	task.clear_ibuf [dreg:s6], $0x2FFFF;
	_ =	strace $0x9FFFFFFF  }
0xc1: {  	(tm) =	ssettm $0x7FFFFFFF  }
tec
execute0_lowered:
.L_overlay_start_1:
0x0: {  	(tag) =	ssettag $0x1  }
0x1: {  	s1 =	srdreg.scid;
	s0 =	stileid.u32  }
0x2: {  	s6 =	sand.u32 $0x1, s1;
	s30 =	sshll.u32 s0, $0x1  }
0x3: {  	s8 =	rddreg [dreg:$0x0];
	s7 =	sor.u32 s6, s30  }
0x4: {  	s2 =	simm.s32 $0x0;
	s1 =	rddreg [dreg:$0x1];
	s3 =	smul.u32 $0x271, s7  }
0x5: {  	[smem:$0x7FF] =	sst s2;
	s5 =	sadd.s32 $0x4000, s8  }
0x6: {  	_ =	strace $0x80000050;
	s10 =	ssub.s32 $0x2, s6;
	s3 =	sadd.s32 s3, s8  }
0x7: {  	s6 =	simm.s32 $0x1388;
	s4 =	sadd.s32 $0x9000, s3;
	s3 =	simm.s32 $0x2  }
0x8: {  	[tilespmem:s2], [sflag:$0x2] =	stream.linear.gather [hbm4b:s4+s2], $0x1388, $0x38;
	[tilespmem:$0x14C08] =	vst v63  }
0x9: {  	s9 =	smul.u32 $0x2710, s7;
	s11 =	sshrl.u32 s10, $0x1;
	_ =	swait.ge [sflag:s3], $0x1388  }
0xa: {  	s7 =	simm.s32 $0x1;
	s31 =	ssub.s32 s10, s11;
	[sflag:s3] =	ssyncset.done $0x0  }
0xb: {  	s8 =	sadd.s32 s9, s8;
	s9 =	smax.u32 s31, $0x1;
	[sflag:s3] =	ssyncadd.s32 $0xFFFFEC78  }
0xc: {  	[tilespmem:s6], [sflag:$0x1] =	stream.indirect.gather [hbm4b:s5+s6], $0x10, s2, s6, $0xb8;
	[tilespmem:$0x14C08] =	vst v63  }
0xd: {  	p0 =	sne.s32 s9, $0x1;
	_ =	swait.ge [sflag:s7], $0x13880  }
.Ltmp0:
0xe: {  	[sflag:s7] =	ssyncset.done $0x0;
	(pc) =	sbr.rel @!p0 .LBB2_2-.Ltmp0, $4  }
0xf: {  	s8 =	sadd.s32 $0x13000, s8;
	[sflag:s7] =	ssyncadd.s32 $0xFFFEC780  }
0x10: {  	[hbm4b:s8+s2] =	stream.linear.scatter [tilespmem:s6], [sflag:$0x2], $0x13880, $0x38;
	[tilespmem:$0x14C08] =	vst v63  }
0x11: {  	_ =	swait.ge [sflag:s3], $0x13880  }
0x12: {  	s9 =	sadd.s32 $0xFFFFFFFF, s9;
	[sflag:s3] =	ssyncset.done $0x0  }
.LBB2_1:
0x13: {  	p0 =	sne.s32 s9, $0x1;
	s9 =	sadd.s32 $0xFFFFFFFF, s9;
	[sflag:s3] =	ssyncadd.s32 $0xFFFEC780  }
0x14: {  	[tilespmem:s2], [sflag:$0x2] =	stream.linear.gather [hbm4b:s4+s2], $0x1388, $0x38;
	[tilespmem:$0x14C08] =	vst v63  }
0x15: {  	_ =	swait.ge [sflag:s3], $0x1388  }
0x16: {  	[sflag:s3] =	ssyncset.done $0x0  }
0x17: {  	[sflag:s3] =	ssyncadd.s32 $0xFFFFEC78  }
0x18: {  	[tilespmem:s6], [sflag:$0x1] =	stream.indirect.gather [hbm4b:s5+s6], $0x10, s2, s6, $0xb8;
	[tilespmem:$0x14C08] =	vst v63  }
0x19: {  	_ =	swait.ge [sflag:s7], $0x13880  }
.Ltmp1:
0x1a: {  	[sflag:s7] =	ssyncset.done $0x0;
	(pc) =	sbr.rel @p0 .LBB2_1-.Ltmp1, $4  }
0x1b: {  	[sflag:s7] =	ssyncadd.s32 $0xFFFEC780  }
0x1c: {  	[hbm4b:s8+s2] =	stream.linear.scatter [tilespmem:s6], [sflag:$0x2], $0x13880, $0x38;
	[tilespmem:$0x14C08] =	vst v63  }
0x1d: {  	_ =	swait.ge [sflag:s3], $0x13880  }
0x1e: {  	[sflag:s3] =	ssyncset.done $0x0  }
.LBB2_2:
0x1f: {  	[sflag:s3] =	ssyncadd.s32 $0xFFFEC780  }
0x20: {  	_ =	sfence.sel $0x180000  }
0x21: {  	[bflag:$0x0] =	sbarrier.arrive $0xFFFF  }
0x22: {  	p0 =	sne.s32 s0, $0x0;
	_ =	strace $0x90000050  }
0x23: {  	s0 =	sadd.s32 @!p0 $0x100000, s1;
	[bflag:$0x2] =	sbarrier.arrive $0xFFFF  }
0x24: {  	[sflag:s0] =	ssyncadd.tile.s32 @!p0 $0x1;
	_ =	shalt  }
.Lfunc_end2:
_tile_overlayer_lowered:
.L_overlay_start_2:
0x25: {  	(tag) =	ssettag $0x2  }
0x26: {  	s0 =	rddreg [dreg:$0x0];
	s2 =	stileid.u32  }
0x27: {  	s1 =	rddreg [dreg:$0x1];
	p0 =	sne.s32 s2, $0x0  }
0x28: {  	s3 =	rddreg [dreg:$0x2];
	[bflag:$0x3] =	sbarrier.arrive $0xFFFF;
	s2 =	simm.s32 @!p0 $0x1C02  }
0x29: {  	[timem:s3], [sflag:s2] =	dma.local @!p0 [hbm:s0], s1  }
0x2a: {  	s0 =	simm.s32 @!p0 $0x2  }
0x2b: {  	_ =	swait.ge @!p0 [sflag:s0], s1  }
0x2c: {  	s1 =	ssub.s32 @!p0 $0x0, s1;
	[sflag:s0] =	ssyncset.done @!p0 $0x0  }
0x2d: {  	[sflag:s0] =	ssyncadd.s32 @!p0 s1  }
0x2e: {  	[bflag:$0x3] =	sbarrier.arrive $0xFFFF  }
0x2f: {  	_ =	shalt  }

// kernel: kernel.26.cloned.1.call-start
scs
__scs_entry_jumppad:
0x0: {  	(pc) =	sbr.rel $0x88, $3  }
0x1: {  	(tag) =	ssettag $0x0;
	lr =	simm.s32 $0x1  }
0x2: {  	[smem:$0x3F93] =	sst lr;
	_ =	strace $0xD0000000  }
0x3: {  	_ = 	snop  }
0x4: {  	_ = 	snop  }
0x5: {  	_ = 	snop  }
0x6: {  	_ = 	snop  }
0x7: {  	_ = 	snop  }
__scs_overlays_trampoline_lowered:
0x8: {  	[smem:$0x3FA2] =	sst s0  }
0x9: {  	[smem:$0x3FA3] =	sst s1  }
0xa: {  	[smem:$0x3FA4] =	sst s2  }
0xb: {  	[smem:$0x3FA5] =	sst s3  }
0xc: {  	[smem:$0x3FA6] =	sst s4  }
0xd: {  	[smem:$0x3FA7] =	sst s5  }
0xe: {  	[smem:$0x3FA8] =	sst s6  }
0xf: {  	[smem:$0x3FA9] =	sst s7  }
0x10: {  	[smem:$0x3FAA] =	sst s8  }
0x11: {  	[smem:$0x3FAB] =	sst s9;
	s0 =	simm.s32 @!p0 $0x0  }
0x12: {  	s1 =	sld [smem:$0x3F91];
	s0 =	simm.s32 @p0 $0x1  }
0x13: {  	[smem:$0x3FAC] =	sst s0;
	s0 =	simm.s32 @!p1 $0x0  }
0x14: {  	s2 =	sld [smem:$0x3F90];
	s0 =	simm.s32 @p1 $0x1  }
0x15: {  	[smem:$0x3FAD] =	sst s0;
	s0 =	simm.s32 @!p2 $0x0  }
0x16: {  	s3 =	sld [smem:$0x3FDB];
	s0 =	simm.s32 @p2 $0x1  }
0x17: {  	s4 =	simm.s32 $0x1BF5;
	[smem:$0x3FAF] =	sst s0  }
0x18: {  	s0 =	sld [smem:$0x3F92];
	_ =	swait.ge [sflag:s4], $0x0  }
0x19: {  	s7 =	sld [smem:$0x3F93]  }
0x1a: {  	s8 =	sadd.s32 $0xFFFFE003, lr  }
0x1b: {  	s9 =	sadd.s32 $0xFFFFFEF7, lr;
	s5 =	simm.s32 $0xFFFFFFFF;
	p2 =	slt.u32 s8, $0xFFFFF086  }
0x1c: {  	p1 =	slt.u32 s9, $0xF7A;
	s5 =	simm.s32 @!p2 $0x0  }
0x1d: {  	s5 =	simm.s32 @p1 $0x1;
	p0 =	seq.s32 s7, s2  }
0x1e: {  	s7 =	smul.u32 @!p0 $0xF7A, s2;
	p2 =	seq.s32 @!p0 s5, $0x0  }
0x1f: {  	s9 =	smul.u32 $0xF7A, s1;
	s8 =	simm.s32 @!p0 $0x1BF5;
	p2 =	por !p2, p0  }
0x20: {  	[sflag:s8] =	ssyncset.s32 @!p0 $0xFFFFF086;
	s6 =	sadd.s32 @!p0 s3, s7;
	s7 =	simm.s32 @!p0 $0x108  }
0x21: {  	s3 =	sadd.s32 s3, s9;
	s6 =	sadd.s32 @!p0 $0x88, s6;
	s7 =	simm.s32 @p2 $0x1082  }
0x22: {  	[simem:s7], [sflag:s8] =	dma.local @!p0 [hbm:s6], $0xF7A  }
0x23: {  	s9 =	sor.u32 $0xD0000000, s2;
	s6 =	simm.s32 $0x108;
	_ =	swait.ge @!p0 [sflag:s8], $0x0  }
0x24: {  	s3 =	sadd.s32 $0x88, s3;
	s6 =	simm.s32 @!p1 $0x1082;
	[sflag:s4] =	ssyncset.s32 $0xFFFFF086  }
0x25: {  	[simem:s6], [sflag:s4] =	dma.local [hbm:s3], $0xF7A  }
0x26: {  	[smem:$0x3F93] =	sst s1;
	(tag) =	ssettag s2;
	_ =	strace s9  }
0x27: {  	s1 =	sld [smem:$0x3FA3]  }
0x28: {  	s2 =	sld [smem:$0x3FA4]  }
0x29: {  	s4 =	sld [smem:$0x3FA6]  }
0x2a: {  	p0 =	seq.s32 s5, $0x0;
	s5 =	sld [smem:$0x3FA7]  }
0x2b: {  	s6 =	sld [smem:$0x3FA8]  }
0x2c: {  	s7 =	sld [smem:$0x3FA9]  }
0x2d: {  	s3 =	simm.s32 $0x108;
	s8 =	sld [smem:$0x3FAA]  }
0x2e: {  	s3 =	simm.s32 @!p0 $0x1082;
	s9 =	sld [smem:$0x3FAB]  }
0x2f: {  	lr =	sadd.s32 s0, s3;
	s0 =	sld [smem:$0x3FA2]  }
0x30: {  	s3 =	sld [smem:$0x3FA5]  }
0x31: {  	[smem:$0x3FAE] =	sst s10  }
0x32: {  	s10 =	sld [smem:$0x3FAC];
	_ =	sdelay $0x3  }
0x33: {  	p0 =	seq.s32 s10, $0x1;
	s10 =	sld [smem:$0x3FAE];
	_ =	sdelay $0x3  }
0x34: {  	[smem:$0x3FAE] =	sst s10  }
0x35: {  	s10 =	sld [smem:$0x3FAD];
	_ =	sdelay $0x3  }
0x36: {  	p1 =	seq.s32 s10, $0x1;
	s10 =	sld [smem:$0x3FAE];
	_ =	sdelay $0x3  }
0x37: {  	[smem:$0x3FAE] =	sst s10  }
0x38: {  	s10 =	sld [smem:$0x3FAF]  }
0x39: {  	_ = 	snop;
	(pc) =	sbr.ind lr, $3  }
0x3a: {  	_ = 	snop  }
0x3b: {  	_ = 	snop  }
0x3c: {  	p2 =	seq.s32 s10, $0x1;
	s10 =	sld [smem:$0x3FAE]  }
0x3d: {  	_ =	shalt  }
0x3e: {  	_ =	shalt  }
0x3f: {  	_ =	shalt  }
0x40: {  	_ =	shalt  }
0x41: {  	_ =	shalt  }
0x42: {  	_ =	shalt  }
0x43: {  	_ =	shalt  }
0x44: {  	_ =	shalt  }
0x45: {  	_ =	shalt  }
0x46: {  	_ =	shalt  }
0x47: {  	_ =	shalt  }
0x48: {  	_ =	shalt  }
0x49: {  	_ =	shalt  }
0x4a: {  	_ =	shalt  }
0x4b: {  	_ =	shalt  }
0x4c: {  	_ =	shalt  }
0x4d: {  	_ =	shalt  }
0x4e: {  	_ =	shalt  }
0x4f: {  	_ =	shalt  }
0x50: {  	_ =	shalt  }
0x51: {  	_ =	shalt  }
0x52: {  	_ =	shalt  }
0x53: {  	_ =	shalt  }
0x54: {  	_ =	shalt  }
0x55: {  	_ =	shalt  }
0x56: {  	_ =	shalt  }
0x57: {  	_ =	shalt  }
0x58: {  	_ =	shalt  }
0x59: {  	_ =	shalt  }
0x5a: {  	_ =	shalt  }
0x5b: {  	_ =	shalt  }
0x5c: {  	_ =	shalt  }
0x5d: {  	_ =	shalt  }
0x5e: {  	_ =	shalt  }
0x5f: {  	_ =	shalt  }
0x60: {  	_ =	shalt  }
0x61: {  	_ =	shalt  }
0x62: {  	_ =	shalt  }
0x63: {  	_ =	shalt  }
0x64: {  	_ =	shalt  }
0x65: {  	_ =	shalt  }
0x66: {  	_ =	shalt  }
0x67: {  	_ =	shalt  }
0x68: {  	_ =	shalt  }
0x69: {  	_ =	shalt  }
0x6a: {  	_ =	shalt  }
0x6b: {  	_ =	shalt  }
0x6c: {  	_ =	shalt  }
0x6d: {  	_ =	shalt  }
0x6e: {  	_ =	shalt  }
0x6f: {  	_ =	shalt  }
0x70: {  	_ =	shalt  }
0x71: {  	_ =	shalt  }
0x72: {  	_ =	shalt  }
0x73: {  	_ =	shalt  }
0x74: {  	_ =	shalt  }
0x75: {  	_ =	shalt  }
0x76: {  	_ =	shalt  }
0x77: {  	_ =	shalt  }
0x78: {  	_ =	shalt  }
0x79: {  	_ =	shalt  }
0x7a: {  	_ =	shalt  }
0x7b: {  	_ =	shalt  }
0x7c: {  	_ =	shalt  }
0x7d: {  	_ =	shalt  }
0x7e: {  	_ =	shalt  }
0x7f: {  	_ =	shalt  }
0x80: {  	_ =	shalt  }
0x81: {  	_ =	shalt  }
0x82: {  	_ =	shalt  }
0x83: {  	_ =	shalt  }
0x84: {  	_ =	shalt  }
0x85: {  	_ =	shalt  }
0x86: {  	_ =	shalt  }
0x87: {  	_ =	shalt  }
.Lfunc_end0:
.L_simem_size_0:
called_computation.4_lowered:
.L_overlay_start_0:
0x88: {  	s2 =	sld [smem:$0x3FD9]  }
0x89: {  	s3 =	sld [smem:$0x3FFE];
	_ =	sdelay $0x1  }
0x8a: {  	s1 =	srdreg.scid  }
0x8b: {  	s0 =	sand.u32 $0x1, s1  }
0x8c: {  	s16 =	sshll.u32 s0, $0xA;
	s2 =	sadd.s32 s3, s2  }
0x8d: {  	s2 =	sadd.s32 s2, s16  }
0x8e: {  	[smem:$0x3FBA] =	sst s2  }
0x8f: {  	_ = 	snop  }
0x90: {  	(tm) =	ssettm $0x1  }
0x91: {  	s17 =	sld [smem:$0x3FFB];
	_ =	sdelay $0x3  }
0x92: {  	_ =	strace s17  }
0x93: {  	s2 =	sld [smem:$0x3FFC];
	_ =	sdelay $0x3  }
0x94: {  	_ =	strace s2  }
0x95: {  	s2 =	sld [smem:$0x3FFD];
	_ =	sdelay $0x3  }
0x96: {  	_ =	strace s2  }
0x97: {  	_ =	strace $0x8FFFFFFF  }
0x98: {  	s18 =	sld [smem:$0x3FDB];
	_ =	sdelay $0x1  }
0x99: {  	s19 =	simm.s32 $_scs_section_size  }
0x9a: {  	s4 =	simm.s32 $_size__tile_overlayer_lowered;
	s5 =	simm.s32 $_tile_overlayer_lowered  }
0x9b: {  	s22 =	simm.s32 $0x1BFF;
	s21 =	sshll.u32 s5, $0x1;
	s2 =	sadd.s32 s19, s18  }
0x9c: {  	s6 =	simm.s32 $0x0;
	s20 =	sshll.u32 s4, $0x1;
	s4 =	sadd.s32 s21, s2  }
0x9d: {  	[timem:s6], [sflag:s22] =	dma.local [hbm:s4], s20  }
0x9e: {  	_ =	swait.ge [sflag:s22], s20  }
0x9f: {  	s3 =	ssub.s32 $0x0, s20;
	[sflag:s22] =	ssyncset.done $0x0  }
0xa0: {  	[sflag:s22] =	ssyncadd.s32 s3;
	_ =	sdelay $0x1  }
0xa1: {  	s23 =	simm.s32 $0x1B8B  }
0xa2: {  	_ =	swait.ge [sflag:s23], $0x1  }
0xa3: {  	[sflag:s23] =	ssyncset.done $0x0  }
0xa4: {  	s25 =	simm.s32 $0x1B8E;
	s24 =	sld [smem:$0x3FFE];
	[sflag:s23] =	ssyncadd.s32 $0xFFFFFFFF  }
0xa5: {  	s26 =	simm.s32 $execute0_lowered;
	[smem:$0x3FD2] =	sst s25  }
0xa6: {  	s4 =	sshll.u32 s26, $0x1;
	_ =	strace $0x80000052;
	[dreg:$0x1] =	wrdreg $0xFFFFFFFF  }
0xa7: {  	s28 =	simm.s32 $_size_execute0_lowered;
	s2 =	sadd.s32 s2, s4;
	[dreg:$0x0] =	wrdreg $0x0  }
0xa8: {  	s4 =	sshll.u32 s28, $0x1;
	[dreg:$0x2] =	wrdreg s2  }
0xa9: {  	[dreg:$0x3] =	wrdreg s4  }
0xaa: {  	[dreg:$0x4] =	wrdreg $0xC0  }
0xab: {  	_ =	task [dreg:s6], $0x5FFFF  }
0xac: {  	[dreg:$0x1] =	wrdreg $0xFFFFFFFF  }
0xad: {  	[dreg:$0x0] =	wrdreg $0x60  }
0xae: {  	[dreg:$0x2] =	wrdreg s24  }
0xaf: {  	[dreg:$0x3] =	wrdreg $0x14C080  }
0xb0: {  	[dreg:$0x4] =	wrdreg $0x9  }
0xb1: {  	_ =	task.clear_ibuf [dreg:s6], $0x5FFFF;
	_ =	strace $0x90000052  }
0xb2: {  	s29 =	simm.s32 $0x9;
	_ =	strace $0x80000054  }
0xb3: {  	_ =	swait.ge [sflag:s29], $0x1  }
0xb4: {  	[sflag:s29] =	ssyncadd.s32 $0xFFFFFFFF  }
0xb5: {  	_ =	strace $0x90000054  }
0xb6: {  	_ =	sfence  }
0xb7: {  	s30 =	sld [smem:$0x0];
	_ =	sdelay $0x2  }
0xb8: {  	s31 =	sshll.u32 s1, $0xD;
	s1 =	sshrl.u32 s1, $0x2  }
0xb9: {  	s3 =	sand.u32 $0x4000, s31;
	s1 =	sadd.s32 s1, s30  }
0xba: {  	s0 =	sor.u32 s3, s0;
	s1 =	sshll.u32 s1, $0x11  }
0xbb: {  	s0 =	sor.u32 s1, s0  }
0xbc: {  	s0 =	sadd.s32 $0x8F2B, s0  }
0xbd: {  	[sflag:s0] =	ssyncadd.remote.s32 $0x1  }
0xbe: {  	_ =	sfence.sel $0xFFFF  }
0xbf: {  	[dreg:$0x0] =	wrdreg $0xFFFFFFFF;
	(pc) =	sbr.abs _section_cstart, $3  }
0xc0: {  	[dreg:$0x1] =	wrdreg $0xFFFFFFFF  }
0xc1: {  	_ =	task.clear_ibuf [dreg:s6], $0x2FFFF;
	_ =	strace $0x9FFFFFFF  }
0xc2: {  	(tm) =	ssettm $0x7FFFFFFF  }
0xc3: {  	_ =	shalt  }
tec
execute0_lowered:
.L_overlay_start_1:
0x0: {  	(tag) =	ssettag $0x1  }
0x1: {  	s1 =	srdreg.scid;
	s0 =	stileid.u32  }
0x2: {  	s12 =	sand.u32 $0x1, s1;
	s28 =	sshll.u32 s0, $0x1  }
0x3: {  	s11 =	rddreg [dreg:$0x0];
	s4 =	sor.u32 s12, s28  }
0x4: {  	s2 =	rddreg [dreg:$0x1];
	s3 =	simm.s32 $0x0;
	s5 =	smul.u32 $0x271, s4  }
0x5: {  	[smem:$0x7FF] =	sst s3  }
0x6: {  	s1 =	rddreg [dreg:$0x2];
	_ =	strace $0x80000053;
	s29 =	sadd.s32 s5, s11  }
0x7: {  	s6 =	smul.u32 $0x2710, s4;
	s4 =	simm.s32 $0x1;
	s5 =	sadd.s32 $0xE000, s29  }
0x8: {  	[tilespmem:s3], [sflag:$0x1] =	stream.linear.gather [hbm4b:s5+s3], $0x1388, $0x38;
	[tilespmem:$0x17318] =	vst v63  }
0x9: {  	s7 =	simm.s32 $0x1388;
	_ =	swait.ge [sflag:s4], $0x1388  }
0xa: {  	s8 =	smul.u32 $0x2710, s0;
	s6 =	sadd.s32 s6, s11;
	[sflag:s4] =	ssyncset.done $0x0  }
0xb: {  	s30 =	sshll.u32 s0, $0x6;
	s6 =	sadd.s32 $0x13000, s6;
	[sflag:s4] =	ssyncadd.s32 $0xFFFFEC78  }
0xc: {  	[tilespmem:s7], [sflag:$0x1] =	stream.linear.gather [hbm4b:s6+s3], $0x13880, $0x38;
	[tilespmem:$0x17318] =	vst v63  }
0xd: {  	s9 =	sshrl.u32 s8, $0x3;
	s10 =	sadd.s32 s8, s2;
	_ =	swait.ge [sflag:s4], $0x13880  }
0xe: {  	s9 =	sadd.s32 s9, s11;
	s10 =	sshrl.u32 s10, $0x3;
	[sflag:s4] =	ssyncset.done $0x0  }
0xf: {  	s8 =	sadd.s32 $0x61200, s9;
	s9 =	sor.u32 $0x1C01, s30;
	[sflag:s4] =	ssyncadd.s32 $0xFFFEC780  }
0x10: {  	[spmem:s10], [sflag:s9] =	dma.local [hbm:s8], $0x4E2  }
0x11: {  	_ =	swait.ge [sflag:s4], $0x4E2  }
0x12: {  	s13 =	smul.u32 $0x4E20, s12;
	s12 =	ssub.s32 $0x2, s12;
	[sflag:s4] =	ssyncset.done $0x0  }
0x13: {  	s31 =	sshrl.u32 s12, $0x1;
	[sflag:s4] =	ssyncadd.s32 $0xFFFFFB1E  }
0x14: {  	s14 =	smul.u32 $0x4E2, s0;
	s12 =	ssub.s32 s12, s31;
	[bflag:$0x0] =	sbarrier.arrive $0xFFFF  }
0x15: {  	[spmem:s2] =	stream.indirect.scatter.add.f32 [tilespmem:s7], [sflag:$0x1], $0x10, s3, s7, $0xb8;
	[tilespmem:$0x17318] =	vst v63  }
0x16: {  	s12 =	smax.u32 s12, $0x1;
	_ =	swait.ge [sflag:s4], $0x13880  }
0x17: {  	s13 =	sadd.s32 s14, s13;
	p0 =	sne.s32 s12, $0x1;
	[sflag:s4] =	ssyncset.done $0x0  }
.Ltmp0:
0x18: {  	s11 =	sadd.s32 s13, s11;
	[sflag:s4] =	ssyncadd.s32 $0xFFFEC780;
	(pc) =	sbr.rel @!p0 .LBB2_2-.Ltmp0, $4  }
0x19: {  	s11 =	sadd.s32 $0x4000, s11;
	[bflag:$0x0] =	sbarrier.arrive $0xFFFF  }
0x1a: {  	[hbm:s11], [sflag:s9] =	dma.local [spmem:s10], $0x4E2  }
0x1b: {  	_ =	swait.ge [sflag:s4], $0x4E2  }
0x1c: {  	s12 =	sadd.s32 $0xFFFFFFFF, s12;
	[sflag:s4] =	ssyncset.done $0x0  }
.LBB2_1:
0x1d: {  	p0 =	sne.s32 s12, $0x1;
	s12 =	sadd.s32 $0xFFFFFFFF, s12;
	[sflag:s4] =	ssyncadd.s32 $0xFFFFFB1E  }
0x1e: {  	[tilespmem:s3], [sflag:$0x1] =	stream.linear.gather [hbm4b:s5+s3], $0x1388, $0x38;
	[tilespmem:$0x17318] =	vst v63  }
0x1f: {  	_ =	swait.ge [sflag:s4], $0x1388  }
0x20: {  	[sflag:s4] =	ssyncset.done $0x0  }
0x21: {  	[sflag:s4] =	ssyncadd.s32 $0xFFFFEC78  }
0x22: {  	[tilespmem:s7], [sflag:$0x1] =	stream.linear.gather [hbm4b:s6+s3], $0x13880, $0x38;
	[tilespmem:$0x17318] =	vst v63  }
0x23: {  	_ =	swait.ge [sflag:s4], $0x13880  }
0x24: {  	[sflag:s4] =	ssyncset.done $0x0  }
0x25: {  	[sflag:s4] =	ssyncadd.s32 $0xFFFEC780  }
0x26: {  	[spmem:s10], [sflag:s9] =	dma.local [hbm:s8], $0x4E2  }
0x27: {  	_ =	swait.ge [sflag:s4], $0x4E2  }
0x28: {  	[sflag:s4] =	ssyncset.done $0x0  }
0x29: {  	[sflag:s4] =	ssyncadd.s32 $0xFFFFFB1E  }
0x2a: {  	[bflag:$0x0] =	sbarrier.arrive $0xFFFF  }
0x2b: {  	[spmem:s2] =	stream.indirect.scatter.add.f32 [tilespmem:s7], [sflag:$0x1], $0x10, s3, s7, $0xb8;
	[tilespmem:$0x17318] =	vst v63  }
0x2c: {  	_ =	swait.ge [sflag:s4], $0x13880  }
0x2d: {  	[sflag:s4] =	ssyncset.done $0x0  }
.Ltmp1:
0x2e: {  	[sflag:s4] =	ssyncadd.s32 $0xFFFEC780;
	(pc) =	sbr.rel @p0 .LBB2_1-.Ltmp1, $4  }
0x2f: {  	[bflag:$0x0] =	sbarrier.arrive $0xFFFF  }
0x30: {  	[hbm:s11], [sflag:s9] =	dma.local [spmem:s10], $0x4E2  }
0x31: {  	_ =	swait.ge [sflag:s4], $0x4E2  }
0x32: {  	[sflag:s4] =	ssyncset.done $0x0  }
.LBB2_2:
0x33: {  	[sflag:s4] =	ssyncadd.s32 $0xFFFFFB1E  }
0x34: {  	_ =	sfence.sel $0x180000  }
0x35: {  	[bflag:$0x0] =	sbarrier.arrive $0xFFFF  }
0x36: {  	p0 =	sne.s32 s0, $0x0;
	_ =	strace $0x90000053  }
0x37: {  	s0 =	sadd.s32 @!p0 $0x100000, s1;
	[bflag:$0x2] =	sbarrier.arrive $0xFFFF  }
0x38: {  	[sflag:s0] =	ssyncadd.tile.s32 @!p0 $0x1;
	_ =	shalt  }
.Lfunc_end2:
_tile_overlayer_lowered:
.L_overlay_start_2:
0x39: {  	(tag) =	ssettag $0x2  }
0x3a: {  	s0 =	rddreg [dreg:$0x0];
	s2 =	stileid.u32  }
0x3b: {  	s1 =	rddreg [dreg:$0x1];
	p0 =	sne.s32 s2, $0x0  }
0x3c: {  	s3 =	rddreg [dreg:$0x2];
	[bflag:$0x3] =	sbarrier.arrive $0xFFFF;
	s2 =	simm.s32 @!p0 $0x1C01  }
0x3d: {  	[timem:s3], [sflag:s2] =	dma.local @!p0 [hbm:s0], s1  }
0x3e: {  	s0 =	simm.s32 @!p0 $0x1  }
0x3f: {  	_ =	swait.ge @!p0 [sflag:s0], s1  }
0x40: {  	s1 =	ssub.s32 @!p0 $0x0, s1;
	[sflag:s0] =	ssyncset.done @!p0 $0x0  }
0x41: {  	[sflag:s0] =	ssyncadd.s32 @!p0 s1  }
0x42: {  	[bflag:$0x3] =	sbarrier.arrive $0xFFFF  }
0x43: {  	_ =	shalt  }

// kernel: kernel.29.cloned.1.call-start
scs
__scs_entry_jumppad:
0x0: {  	(pc) =	sbr.rel $0x88, $3  }
0x1: {  	(tag) =	ssettag $0x0;
	lr =	simm.s32 $0x1  }
0x2: {  	[smem:$0x3F93] =	sst lr;
	_ =	strace $0xD0000000  }
0x3: {  	_ = 	snop  }
0x4: {  	_ = 	snop  }
0x5: {  	_ = 	snop  }
0x6: {  	_ = 	snop  }
0x7: {  	_ = 	snop  }
__scs_overlays_trampoline_lowered:
0x8: {  	[smem:$0x3FA2] =	sst s0  }
0x9: {  	[smem:$0x3FA3] =	sst s1  }
0xa: {  	[smem:$0x3FA4] =	sst s2  }
0xb: {  	[smem:$0x3FA5] =	sst s3  }
0xc: {  	[smem:$0x3FA6] =	sst s4  }
0xd: {  	[smem:$0x3FA7] =	sst s5  }
0xe: {  	[smem:$0x3FA8] =	sst s6  }
0xf: {  	[smem:$0x3FA9] =	sst s7  }
0x10: {  	[smem:$0x3FAA] =	sst s8  }
0x11: {  	[smem:$0x3FAB] =	sst s9;
	s0 =	simm.s32 @!p0 $0x0  }
0x12: {  	s1 =	sld [smem:$0x3F91];
	s0 =	simm.s32 @p0 $0x1  }
0x13: {  	[smem:$0x3FAC] =	sst s0;
	s0 =	simm.s32 @!p1 $0x0  }
0x14: {  	s2 =	sld [smem:$0x3F90];
	s0 =	simm.s32 @p1 $0x1  }
0x15: {  	[smem:$0x3FAD] =	sst s0;
	s0 =	simm.s32 @!p2 $0x0  }
0x16: {  	s3 =	sld [smem:$0x3FDB];
	s0 =	simm.s32 @p2 $0x1  }
0x17: {  	s4 =	simm.s32 $0x1BF5;
	[smem:$0x3FAF] =	sst s0  }
0x18: {  	s0 =	sld [smem:$0x3F92];
	_ =	swait.ge [sflag:s4], $0x0  }
0x19: {  	s7 =	sld [smem:$0x3F93]  }
0x1a: {  	s8 =	sadd.s32 $0xFFFFE003, lr  }
0x1b: {  	s9 =	sadd.s32 $0xFFFFFEF7, lr;
	s5 =	simm.s32 $0xFFFFFFFF;
	p2 =	slt.u32 s8, $0xFFFFF086  }
0x1c: {  	p1 =	slt.u32 s9, $0xF7A;
	s5 =	simm.s32 @!p2 $0x0  }
0x1d: {  	s5 =	simm.s32 @p1 $0x1;
	p0 =	seq.s32 s7, s2  }
0x1e: {  	s7 =	smul.u32 @!p0 $0xF7A, s2;
	p2 =	seq.s32 @!p0 s5, $0x0  }
0x1f: {  	s9 =	smul.u32 $0xF7A, s1;
	s8 =	simm.s32 @!p0 $0x1BF5;
	p2 =	por !p2, p0  }
0x20: {  	[sflag:s8] =	ssyncset.s32 @!p0 $0xFFFFF086;
	s6 =	sadd.s32 @!p0 s3, s7;
	s7 =	simm.s32 @!p0 $0x108  }
0x21: {  	s3 =	sadd.s32 s3, s9;
	s6 =	sadd.s32 @!p0 $0x88, s6;
	s7 =	simm.s32 @p2 $0x1082  }
0x22: {  	[simem:s7], [sflag:s8] =	dma.local @!p0 [hbm:s6], $0xF7A  }
0x23: {  	s9 =	sor.u32 $0xD0000000, s2;
	s6 =	simm.s32 $0x108;
	_ =	swait.ge @!p0 [sflag:s8], $0x0  }
0x24: {  	s3 =	sadd.s32 $0x88, s3;
	s6 =	simm.s32 @!p1 $0x1082;
	[sflag:s4] =	ssyncset.s32 $0xFFFFF086  }
0x25: {  	[simem:s6], [sflag:s4] =	dma.local [hbm:s3], $0xF7A  }
0x26: {  	[smem:$0x3F93] =	sst s1;
	(tag) =	ssettag s2;
	_ =	strace s9  }
0x27: {  	s1 =	sld [smem:$0x3FA3]  }
0x28: {  	s2 =	sld [smem:$0x3FA4]  }
0x29: {  	s4 =	sld [smem:$0x3FA6]  }
0x2a: {  	p0 =	seq.s32 s5, $0x0;
	s5 =	sld [smem:$0x3FA7]  }
0x2b: {  	s6 =	sld [smem:$0x3FA8]  }
0x2c: {  	s7 =	sld [smem:$0x3FA9]  }
0x2d: {  	s3 =	simm.s32 $0x108;
	s8 =	sld [smem:$0x3FAA]  }
0x2e: {  	s3 =	simm.s32 @!p0 $0x1082;
	s9 =	sld [smem:$0x3FAB]  }
0x2f: {  	lr =	sadd.s32 s0, s3;
	s0 =	sld [smem:$0x3FA2]  }
0x30: {  	s3 =	sld [smem:$0x3FA5]  }
0x31: {  	[smem:$0x3FAE] =	sst s10  }
0x32: {  	s10 =	sld [smem:$0x3FAC];
	_ =	sdelay $0x3  }
0x33: {  	p0 =	seq.s32 s10, $0x1;
	s10 =	sld [smem:$0x3FAE];
	_ =	sdelay $0x3  }
0x34: {  	[smem:$0x3FAE] =	sst s10  }
0x35: {  	s10 =	sld [smem:$0x3FAD];
	_ =	sdelay $0x3  }
0x36: {  	p1 =	seq.s32 s10, $0x1;
	s10 =	sld [smem:$0x3FAE];
	_ =	sdelay $0x3  }
0x37: {  	[smem:$0x3FAE] =	sst s10  }
0x38: {  	s10 =	sld [smem:$0x3FAF]  }
0x39: {  	_ = 	snop;
	(pc) =	sbr.ind lr, $3  }
0x3a: {  	_ = 	snop  }
0x3b: {  	_ = 	snop  }
0x3c: {  	p2 =	seq.s32 s10, $0x1;
	s10 =	sld [smem:$0x3FAE]  }
0x3d: {  	_ =	shalt  }
0x3e: {  	_ =	shalt  }
0x3f: {  	_ =	shalt  }
0x40: {  	_ =	shalt  }
0x41: {  	_ =	shalt  }
0x42: {  	_ =	shalt  }
0x43: {  	_ =	shalt  }
0x44: {  	_ =	shalt  }
0x45: {  	_ =	shalt  }
0x46: {  	_ =	shalt  }
0x47: {  	_ =	shalt  }
0x48: {  	_ =	shalt  }
0x49: {  	_ =	shalt  }
0x4a: {  	_ =	shalt  }
0x4b: {  	_ =	shalt  }
0x4c: {  	_ =	shalt  }
0x4d: {  	_ =	shalt  }
0x4e: {  	_ =	shalt  }
0x4f: {  	_ =	shalt  }
0x50: {  	_ =	shalt  }
0x51: {  	_ =	shalt  }
0x52: {  	_ =	shalt  }
0x53: {  	_ =	shalt  }
0x54: {  	_ =	shalt  }
0x55: {  	_ =	shalt  }
0x56: {  	_ =	shalt  }
0x57: {  	_ =	shalt  }
0x58: {  	_ =	shalt  }
0x59: {  	_ =	shalt  }
0x5a: {  	_ =	shalt  }
0x5b: {  	_ =	shalt  }
0x5c: {  	_ =	shalt  }
0x5d: {  	_ =	shalt  }
0x5e: {  	_ =	shalt  }
0x5f: {  	_ =	shalt  }
0x60: {  	_ =	shalt  }
0x61: {  	_ =	shalt  }
0x62: {  	_ =	shalt  }
0x63: {  	_ =	shalt  }
0x64: {  	_ =	shalt  }
0x65: {  	_ =	shalt  }
0x66: {  	_ =	shalt  }
0x67: {  	_ =	shalt  }
0x68: {  	_ =	shalt  }
0x69: {  	_ =	shalt  }
0x6a: {  	_ =	shalt  }
0x6b: {  	_ =	shalt  }
0x6c: {  	_ =	shalt  }
0x6d: {  	_ =	shalt  }
0x6e: {  	_ =	shalt  }
0x6f: {  	_ =	shalt  }
0x70: {  	_ =	shalt  }
0x71: {  	_ =	shalt  }
0x72: {  	_ =	shalt  }
0x73: {  	_ =	shalt  }
0x74: {  	_ =	shalt  }
0x75: {  	_ =	shalt  }
0x76: {  	_ =	shalt  }
0x77: {  	_ =	shalt  }
0x78: {  	_ =	shalt  }
0x79: {  	_ =	shalt  }
0x7a: {  	_ =	shalt  }
0x7b: {  	_ =	shalt  }
0x7c: {  	_ =	shalt  }
0x7d: {  	_ =	shalt  }
0x7e: {  	_ =	shalt  }
0x7f: {  	_ =	shalt  }
0x80: {  	_ =	shalt  }
0x81: {  	_ =	shalt  }
0x82: {  	_ =	shalt  }
0x83: {  	_ =	shalt  }
0x84: {  	_ =	shalt  }
0x85: {  	_ =	shalt  }
0x86: {  	_ =	shalt  }
0x87: {  	_ =	shalt  }
.Lfunc_end0:
.L_simem_size_0:
called_computation.5_lowered:
.L_overlay_start_0:
0x88: {  	s2 =	sld [smem:$0x3FD9]  }
0x89: {  	s3 =	sld [smem:$0x3FFE];
	_ =	sdelay $0x1  }
0x8a: {  	s1 =	srdreg.scid  }
0x8b: {  	s0 =	sand.u32 $0x1, s1  }
0x8c: {  	s16 =	sshll.u32 s0, $0xA;
	s2 =	sadd.s32 s3, s2  }
0x8d: {  	s2 =	sadd.s32 s2, s16  }
0x8e: {  	[smem:$0x3FBA] =	sst s2  }
0x8f: {  	_ = 	snop  }
0x90: {  	(tm) =	ssettm $0x1  }
0x91: {  	s17 =	sld [smem:$0x3FFB];
	_ =	sdelay $0x3  }
0x92: {  	_ =	strace s17  }
0x93: {  	s2 =	sld [smem:$0x3FFC];
	_ =	sdelay $0x3  }
0x94: {  	_ =	strace s2  }
0x95: {  	s2 =	sld [smem:$0x3FFD];
	_ =	sdelay $0x3  }
0x96: {  	_ =	strace s2  }
0x97: {  	_ =	strace $0x8FFFFFFF  }
0x98: {  	s18 =	sld [smem:$0x3FDB];
	_ =	sdelay $0x1  }
0x99: {  	s19 =	simm.s32 $_scs_section_size  }
0x9a: {  	s4 =	simm.s32 $_size__tile_overlayer_lowered;
	s5 =	simm.s32 $_tile_overlayer_lowered  }
0x9b: {  	s22 =	simm.s32 $0x1BFF;
	s21 =	sshll.u32 s5, $0x1;
	s2 =	sadd.s32 s19, s18  }
0x9c: {  	s6 =	simm.s32 $0x0;
	s20 =	sshll.u32 s4, $0x1;
	s4 =	sadd.s32 s21, s2  }
0x9d: {  	[timem:s6], [sflag:s22] =	dma.local [hbm:s4], s20  }
0x9e: {  	_ =	swait.ge [sflag:s22], s20  }
0x9f: {  	s3 =	ssub.s32 $0x0, s20;
	[sflag:s22] =	ssyncset.done $0x0  }
0xa0: {  	[sflag:s22] =	ssyncadd.s32 s3;
	_ =	sdelay $0x1  }
0xa1: {  	s23 =	simm.s32 $0x1B8B  }
0xa2: {  	_ =	swait.ge [sflag:s23], $0x1  }
0xa3: {  	[sflag:s23] =	ssyncset.done $0x0  }
0xa4: {  	s25 =	simm.s32 $0x1B8E;
	s24 =	sld [smem:$0x3FFE];
	[sflag:s23] =	ssyncadd.s32 $0xFFFFFFFF  }
0xa5: {  	s26 =	simm.s32 $execute0_lowered;
	[smem:$0x3FD2] =	sst s25  }
0xa6: {  	s4 =	sshll.u32 s26, $0x1;
	_ =	strace $0x80000055;
	[dreg:$0x1] =	wrdreg $0xFFFFFFFF  }
0xa7: {  	s28 =	simm.s32 $_size_execute0_lowered;
	s2 =	sadd.s32 s2, s4;
	[dreg:$0x0] =	wrdreg $0x0  }
0xa8: {  	s4 =	sshll.u32 s28, $0x1;
	[dreg:$0x2] =	wrdreg s2  }
0xa9: {  	[dreg:$0x3] =	wrdreg s4  }
0xaa: {  	[dreg:$0x4] =	wrdreg $0xC0  }
0xab: {  	_ =	task [dreg:s6], $0x5FFFF  }
0xac: {  	[dreg:$0x1] =	wrdreg $0xFFFFFFFF  }
0xad: {  	[dreg:$0x0] =	wrdreg $0x60  }
0xae: {  	[dreg:$0x2] =	wrdreg s24  }
0xaf: {  	[dreg:$0x3] =	wrdreg $0x9  }
0xb0: {  	_ =	task.clear_ibuf [dreg:s6], $0x4FFFF;
	_ =	strace $0x90000055  }
0xb1: {  	s29 =	simm.s32 $0x9;
	_ =	strace $0x80000057  }
0xb2: {  	_ =	swait.ge [sflag:s29], $0x1  }
0xb3: {  	[sflag:s29] =	ssyncadd.s32 $0xFFFFFFFF  }
0xb4: {  	_ =	strace $0x90000057  }
0xb5: {  	_ =	sfence  }
0xb6: {  	s30 =	sld [smem:$0x0];
	_ =	sdelay $0x2  }
0xb7: {  	s31 =	sshll.u32 s1, $0xD;
	s1 =	sshrl.u32 s1, $0x2  }
0xb8: {  	s3 =	sand.u32 $0x4000, s31;
	s1 =	sadd.s32 s1, s30  }
0xb9: {  	s0 =	sor.u32 s3, s0;
	s1 =	sshll.u32 s1, $0x11  }
0xba: {  	s0 =	sor.u32 s1, s0  }
0xbb: {  	s0 =	sadd.s32 $0x8F2B, s0  }
0xbc: {  	[sflag:s0] =	ssyncadd.remote.s32 $0x1  }
0xbd: {  	_ =	sfence.sel $0xFFFF  }
0xbe: {  	[dreg:$0x0] =	wrdreg $0xFFFFFFFF;
	(pc) =	sbr.abs _section_cstart, $3  }
0xbf: {  	[dreg:$0x1] =	wrdreg $0xFFFFFFFF  }
0xc0: {  	_ =	task.clear_ibuf [dreg:s6], $0x2FFFF;
	_ =	strace $0x9FFFFFFF  }
0xc1: {  	(tm) =	ssettm $0x7FFFFFFF  }
tec
execute0_lowered:
.L_overlay_start_1:
0x0: {  	(tag) =	ssettag $0x1  }
0x1: {  	s1 =	srdreg.scid;
	s0 =	stileid.u32  }
0x2: {  	s6 =	sand.u32 $0x1, s1;
	s30 =	sshll.u32 s0, $0x1  }
0x3: {  	s8 =	rddreg [dreg:$0x0];
	s7 =	sor.u32 s6, s30  }
0x4: {  	s2 =	simm.s32 $0x0;
	s1 =	rddreg [dreg:$0x1];
	s3 =	smul.u32 $0x320, s7  }
0x5: {  	[smem:$0x7FF] =	sst s2;
	s5 =	sadd.s32 $0x4000, s8  }
0x6: {  	_ =	strace $0x80000056;
	s10 =	ssub.s32 $0x2, s6;
	s3 =	sadd.s32 s3, s8  }
0x7: {  	s6 =	simm.s32 $0x1900;
	s4 =	sadd.s32 $0x66200, s3;
	s3 =	simm.s32 $0x2  }
0x8: {  	[tilespmem:s2], [sflag:$0x2] =	stream.linear.gather [hbm4b:s4+s2], $0x1900, $0x38;
	[tilespmem:$0x1A900] =	vst v63  }
0x9: {  	s9 =	smul.u32 $0x3200, s7;
	s11 =	sshrl.u32 s10, $0x1;
	_ =	swait.ge [sflag:s3], $0x1900  }
0xa: {  	s7 =	simm.s32 $0x1;
	s31 =	ssub.s32 s10, s11;
	[sflag:s3] =	ssyncset.done $0x0  }
0xb: {  	s8 =	sadd.s32 s9, s8;
	s9 =	smax.u32 s31, $0x1;
	[sflag:s3] =	ssyncadd.s32 $0xFFFFE700  }
0xc: {  	[tilespmem:s6], [sflag:$0x1] =	stream.indirect.gather [hbm4b:s5+s6], $0x10, s2, s6, $0xb8;
	[tilespmem:$0x1A900] =	vst v63  }
0xd: {  	p0 =	sne.s32 s9, $0x1;
	_ =	swait.ge [sflag:s7], $0x19000  }
.Ltmp0:
0xe: {  	[sflag:s7] =	ssyncset.done $0x0;
	(pc) =	sbr.rel @!p0 .LBB2_2-.Ltmp0, $4  }
0xf: {  	s8 =	sadd.s32 $0x6C600, s8;
	[sflag:s7] =	ssyncadd.s32 $0xFFFE7000  }
0x10: {  	[hbm4b:s8+s2] =	stream.linear.scatter [tilespmem:s6], [sflag:$0x2], $0x19000, $0x38;
	[tilespmem:$0x1A900] =	vst v63  }
0x11: {  	_ =	swait.ge [sflag:s3], $0x19000  }
0x12: {  	s9 =	sadd.s32 $0xFFFFFFFF, s9;
	[sflag:s3] =	ssyncset.done $0x0  }
.LBB2_1:
0x13: {  	p0 =	sne.s32 s9, $0x1;
	s9 =	sadd.s32 $0xFFFFFFFF, s9;
	[sflag:s3] =	ssyncadd.s32 $0xFFFE7000  }
0x14: {  	[tilespmem:s2], [sflag:$0x2] =	stream.linear.gather [hbm4b:s4+s2], $0x1900, $0x38;
	[tilespmem:$0x1A900] =	vst v63  }
0x15: {  	_ =	swait.ge [sflag:s3], $0x1900  }
0x16: {  	[sflag:s3] =	ssyncset.done $0x0  }
0x17: {  	[sflag:s3] =	ssyncadd.s32 $0xFFFFE700  }
0x18: {  	[tilespmem:s6], [sflag:$0x1] =	stream.indirect.gather [hbm4b:s5+s6], $0x10, s2, s6, $0xb8;
	[tilespmem:$0x1A900] =	vst v63  }
0x19: {  	_ =	swait.ge [sflag:s7], $0x19000  }
.Ltmp1:
0x1a: {  	[sflag:s7] =	ssyncset.done $0x0;
	(pc) =	sbr.rel @p0 .LBB2_1-.Ltmp1, $4  }
0x1b: {  	[sflag:s7] =	ssyncadd.s32 $0xFFFE7000  }
0x1c: {  	[hbm4b:s8+s2] =	stream.linear.scatter [tilespmem:s6], [sflag:$0x2], $0x19000, $0x38;
	[tilespmem:$0x1A900] =	vst v63  }
0x1d: {  	_ =	swait.ge [sflag:s3], $0x19000  }
0x1e: {  	[sflag:s3] =	ssyncset.done $0x0  }
.LBB2_2:
0x1f: {  	[sflag:s3] =	ssyncadd.s32 $0xFFFE7000  }
0x20: {  	_ =	sfence.sel $0x180000  }
0x21: {  	[bflag:$0x0] =	sbarrier.arrive $0xFFFF  }
0x22: {  	p0 =	sne.s32 s0, $0x0;
	_ =	strace $0x90000056  }
0x23: {  	s0 =	sadd.s32 @!p0 $0x100000, s1;
	[bflag:$0x2] =	sbarrier.arrive $0xFFFF  }
0x24: {  	[sflag:s0] =	ssyncadd.tile.s32 @!p0 $0x1;
	_ =	shalt  }
.Lfunc_end2:
_tile_overlayer_lowered:
.L_overlay_start_2:
0x25: {  	(tag) =	ssettag $0x2  }
0x26: {  	s0 =	rddreg [dreg:$0x0];
	s2 =	stileid.u32  }
0x27: {  	s1 =	rddreg [dreg:$0x1];
	p0 =	sne.s32 s2, $0x0  }
0x28: {  	s3 =	rddreg [dreg:$0x2];
	[bflag:$0x3] =	sbarrier.arrive $0xFFFF;
	s2 =	simm.s32 @!p0 $0x1C02  }
0x29: {  	[timem:s3], [sflag:s2] =	dma.local @!p0 [hbm:s0], s1  }
0x2a: {  	s0 =	simm.s32 @!p0 $0x2  }
0x2b: {  	_ =	swait.ge @!p0 [sflag:s0], s1  }
0x2c: {  	s1 =	ssub.s32 @!p0 $0x0, s1;
	[sflag:s0] =	ssyncset.done @!p0 $0x0  }
0x2d: {  	[sflag:s0] =	ssyncadd.s32 @!p0 s1  }
0x2e: {  	[bflag:$0x3] =	sbarrier.arrive $0xFFFF  }
0x2f: {  	_ =	shalt  }

</sc_bundles>
